<compile_context>
chip_gen: v7x
topology: tpu7x:2x2x1
jax: 0.10.2.dev20260603
libtpu: 0.0.44.dev20260713+nightly
codegen_flags: <defaults>
</compile_context>

<pallas_src>
import functools

import jax
import jax.numpy as jnp
from jax import lax
from jax.experimental import pallas as pl
from jax.experimental.pallas import tpu as pltpu
from jax.experimental.pallas import tpu_sc as plsc

N_NODES = 100000
DIM = 128
TYPE_NUM = 300
LANES = 16

NC, NS = 2, 16
NW = NC * NS
CHUNK = 3200
W = 64
NBLK = CHUNK // W
NBUF = 12
NROUND = -(-(NBLK + 2) // NBUF)


def _embed(table, node_type, ls):
    mesh = plsc.VectorSubcoreMesh(core_axis_name="c", subcore_axis_name="s")

    @functools.partial(
        pl.kernel,
        out_type=jax.ShapeDtypeStruct((N_NODES, DIM), jnp.float32),
        mesh=mesh,
        scratch_types=[
            pltpu.VMEM_SHARED((TYPE_NUM, DIM), jnp.float32),
            pltpu.VMEM((CHUNK,), jnp.int32),
            pltpu.VMEM((CHUNK,), jnp.int32),
            pltpu.VMEM((CHUNK,), jnp.int32),
            pltpu.VMEM((1, DIM), jnp.float32),
            [pltpu.VMEM((W, DIM), jnp.float32) for _ in range(NBUF)],
            [pltpu.SemaphoreType.DMA for _ in range(NBUF)],
            [pltpu.SemaphoreType.DMA for _ in range(NBUF)],
        ],
    )
    def k(t_hbm, nt_hbm, ls_hbm, out_hbm, tab_v, nt_v, ls_v, idx_v, zrow,
          rows, wsem, gsem):
        wid = lax.axis_index("s") * NC + lax.axis_index("c")

        @pl.when(lax.axis_index("s") == 0)
        def _():
            pltpu.sync_copy(t_hbm, tab_v)

            @pl.loop(0, DIM, step=LANES)
            def _(j):
                zrow[0, pl.ds(j, LANES)] = jnp.zeros((LANES,), jnp.float32)

            pltpu.sync_copy(zrow, tab_v.at[pl.ds(0, 1)])

        base = jnp.minimum(wid * CHUNK, N_NODES - CHUNK)
        pltpu.sync_copy(nt_hbm.at[pl.ds(base, CHUNK)], nt_v)
        pltpu.sync_copy(ls_hbm.at[pl.ds(base, CHUNK)], ls_v)

        @pl.loop(0, CHUNK, step=LANES)
        def _(j):
            sl = pl.ds(j, LANES)
            idx_v[sl] = nt_v[sl] + ls_v[sl] * 100

        plsc.subcore_barrier()

        def fire_gather(i, b):
            pltpu.async_copy(
                tab_v.at[idx_v.at[pl.ds(i * W, W)]], rows[b], gsem[b]
            )

        def wait_gather(i, b):
            pltpu.make_async_copy(
                tab_v.at[idx_v.at[pl.ds(i * W, W)]], rows[b], gsem[b]
            ).wait()

        @pl.loop(0, NROUND)
        def _(i0):
            for b in range(NBUF):
                i = i0 * NBUF + b
                bp = (b - 2) % NBUF

                @pl.when(i < NBLK)
                def _():
                    @pl.when(i0 > 0)
                    def _():
                        pltpu.make_async_copy(
                            rows[b], out_hbm.at[pl.ds(0, W)], wsem[b]
                        ).wait()

                    fire_gather(i, b)

                @pl.when((i >= 2) & (i <= NBLK + 1))
                def _():
                    wait_gather(i - 2, bp)
                    pltpu.async_copy(
                        rows[bp], out_hbm.at[pl.ds(base + (i - 2) * W, W)],
                        wsem[bp],
                    )

        for b in range(NBUF):
            pltpu.make_async_copy(
                rows[b], out_hbm.at[pl.ds(0, W)], wsem[b]
            ).wait()

    return k(table, node_type, ls)


def kernel(node_type, ls, table):
    return _embed(table, node_type.astype(jnp.int32), ls.astype(jnp.int32))

# --- scband reference (transcript-rebuilt; emitter-appended) ---
"""Pipeline reference for scband-fake-atom-embedding-78623671320826 (READ-ONLY COPY).

The authoritative reference and input builder live on the scoring server;
editing this copy changes nothing except your own understanding.
"""

import jax, jax.numpy as jnp
import numpy as np

N_NODES = 100000
DIM = 128
TYPE_NUM = 300

def setup_inputs(seed: int = 0) -> dict:
    key = jax.random.key(seed)
    k1, k2, k3 = jax.random.split(key, 3)
    node_type = jax.random.randint(k1, (N_NODES,), 0, 100, dtype=jnp.int64 if jax.config.jax_enable_x64 else jnp.int32)
    ls = jax.random.randint(k2, (N_NODES,), 0, 3, dtype=node_type.dtype)
    table = jax.random.normal(k3, (TYPE_NUM, DIM), dtype=jnp.float32)
    return {"node_type": node_type, "ls": ls, "table": table}

def reference(node_type, ls, table):
    # FakeAtomEmbedding.forward: node_type = g.ndata['node_type'] + 100 * g.ndata['ls']
    # nn.Embedding(type_num, dim, padding_idx=0): row 0 is zero
    idx = node_type + 100 * ls
    t = table.at[0].set(0.0)  # emulate padding_idx=0
    nnode_feats = jnp.take(t, idx, axis=0)
    return nnode_feats

if __name__ == "__main__":
    import jax
    _d = setup_inputs()
    print(jax.jit(kernel)(*tuple(_d.values())))

</pallas_src>

<mosaic_0001>
#map = affine_map<(d0, d1) -> (0, 0)>
#map1 = affine_map<(d0, d1) -> (0)>
module attributes {stable_mosaic.version = 14 : i64} {
  func.func @k(%arg0: i32, %arg1: i32, %arg2: memref<300x128xf32, #tpu.memory_space<hbm>>, %arg3: memref<100000xi32, #tpu.memory_space<hbm>>, %arg4: memref<100000xi32, #tpu.memory_space<hbm>>, %arg5: memref<100000x128xf32, #tpu.memory_space<hbm>>, %arg6: memref<300x128xf32, #tpu.memory_space<vmem_shared>>, %arg7: memref<3200xi32, #tpu.memory_space<vmem>>, %arg8: memref<3200xi32, #tpu.memory_space<vmem>>, %arg9: memref<3200xi32, #tpu.memory_space<vmem>>, %arg10: memref<1x128xf32, #tpu.memory_space<vmem>>, %arg11: memref<64x128xf32, #tpu.memory_space<vmem>>, %arg12: memref<64x128xf32, #tpu.memory_space<vmem>>, %arg13: memref<64x128xf32, #tpu.memory_space<vmem>>, %arg14: memref<64x128xf32, #tpu.memory_space<vmem>>, %arg15: memref<64x128xf32, #tpu.memory_space<vmem>>, %arg16: memref<64x128xf32, #tpu.memory_space<vmem>>, %arg17: memref<64x128xf32, #tpu.memory_space<vmem>>, %arg18: memref<64x128xf32, #tpu.memory_space<vmem>>, %arg19: memref<64x128xf32, #tpu.memory_space<vmem>>, %arg20: memref<64x128xf32, #tpu.memory_space<vmem>>, %arg21: memref<64x128xf32, #tpu.memory_space<vmem>>, %arg22: memref<64x128xf32, #tpu.memory_space<vmem>>, %arg23: memref<!tpu.dma_semaphore, #tpu.memory_space<semaphore_mem>>, %arg24: memref<!tpu.dma_semaphore, #tpu.memory_space<semaphore_mem>>, %arg25: memref<!tpu.dma_semaphore, #tpu.memory_space<semaphore_mem>>, %arg26: memref<!tpu.dma_semaphore, #tpu.memory_space<semaphore_mem>>, %arg27: memref<!tpu.dma_semaphore, #tpu.memory_space<semaphore_mem>>, %arg28: memref<!tpu.dma_semaphore, #tpu.memory_space<semaphore_mem>>, %arg29: memref<!tpu.dma_semaphore, #tpu.memory_space<semaphore_mem>>, %arg30: memref<!tpu.dma_semaphore, #tpu.memory_space<semaphore_mem>>, %arg31: memref<!tpu.dma_semaphore, #tpu.memory_space<semaphore_mem>>, %arg32: memref<!tpu.dma_semaphore, #tpu.memory_space<semaphore_mem>>, %arg33: memref<!tpu.dma_semaphore, #tpu.memory_space<semaphore_mem>>, %arg34: memref<!tpu.dma_semaphore, #tpu.memory_space<semaphore_mem>>, %arg35: memref<!tpu.dma_semaphore, #tpu.memory_space<semaphore_mem>>, %arg36: memref<!tpu.dma_semaphore, #tpu.memory_space<semaphore_mem>>, %arg37: memref<!tpu.dma_semaphore, #tpu.memory_space<semaphore_mem>>, %arg38: memref<!tpu.dma_semaphore, #tpu.memory_space<semaphore_mem>>, %arg39: memref<!tpu.dma_semaphore, #tpu.memory_space<semaphore_mem>>, %arg40: memref<!tpu.dma_semaphore, #tpu.memory_space<semaphore_mem>>, %arg41: memref<!tpu.dma_semaphore, #tpu.memory_space<semaphore_mem>>, %arg42: memref<!tpu.dma_semaphore, #tpu.memory_space<semaphore_mem>>, %arg43: memref<!tpu.dma_semaphore, #tpu.memory_space<semaphore_mem>>, %arg44: memref<!tpu.dma_semaphore, #tpu.memory_space<semaphore_mem>>, %arg45: memref<!tpu.dma_semaphore, #tpu.memory_space<semaphore_mem>>, %arg46: memref<!tpu.dma_semaphore, #tpu.memory_space<semaphore_mem>>) attributes {dimension_semantics = [#tpu.dimension_semantics<core_parallel>, #tpu.dimension_semantics<subcore_parallel>], iteration_bounds = array<i64: 2, 16>, scalar_prefetch = 0 : i64, scratch_operands = 41 : i64, tpu.core_type = #tpu.core_type<sc_vector_subcore>, window_params = [{transform_indices = #map}, {transform_indices = #map1}, {transform_indices = #map1}, {transform_indices = #map}]} {
    %mul3A = arith.constant 2 : i32
    %mul3A_0 = arith.muli %arg1, %mul3A : i32
    %add3A = arith.addi %mul3A_0, %arg0 : i32
    %eq3A = arith.constant 0 : i32
    %eq3A_1 = arith.cmpi eq, %arg1, %eq3A : i32
    %convert_element_type3A = arith.extui %eq3A_1 : i1 to i32
    %cond3A = arith.constant 0 : i32
    %cond3A_2 = arith.cmpi ne, %convert_element_type3A, %cond3A : i32
    scf.if %cond3A_2 {
      "tpu.region"() ({
        %run_scoped3A = tpu.sem_alloc : memref<!tpu.dma_semaphore, #tpu.memory_space<semaphore_mem>>
        tpu.enqueue_dma source(%arg2 : memref<300x128xf32, #tpu.memory_space<hbm>>) target(%arg6 : memref<300x128xf32, #tpu.memory_space<vmem_shared>>) target_semaphore(%run_scoped3A : memref<!tpu.dma_semaphore, #tpu.memory_space<semaphore_mem>>)
        tpu.wait_dma2 semaphore(%run_scoped3A : memref<!tpu.dma_semaphore, #tpu.memory_space<semaphore_mem>>) src(%arg2 : memref<300x128xf32, #tpu.memory_space<hbm>>) dst(%arg6 : memref<300x128xf32, #tpu.memory_space<vmem_shared>>)
        tpu.yield
      }) : () -> ()
      %scan3A_86 = arith.constant 0 : i32
      %scan3A_87 = arith.constant 8 : i32
      %scan3A_88 = arith.addi %scan3A_86, %scan3A_87 : i32
      %scan3A_89 = arith.constant 1 : i32
      scf.for %scan3A_91 = %scan3A_86 to %scan3A_88 step %scan3A_89  : i32 {
        %mul3A_92 = arith.constant 16 : i32
        %mul3A_93 = arith.muli %scan3A_91, %mul3A_92 : i32
        %add3A_94 = arith.constant 0 : i32
        %add3A_95 = arith.addi %add3A_94, %mul3A_93 : i32
        %broadcast_in_dim3A = arith.constant 0.000000e+00 : f32
        %broadcast_in_dim3A_96 = vector.broadcast %broadcast_in_dim3A : f32 to vector<16xf32>
        %swap3A = arith.constant 0 : i32
        %swap3A_97 = arith.index_cast %swap3A : i32 to index
        %swap3A_98 = arith.index_cast %add3A_95 : i32 to index
        %swap3A_99 = tpu.vector_load %arg10[%swap3A_97, %swap3A_98] {strides = array<i32>} : memref<1x128xf32, #tpu.memory_space<vmem>>, vector<1x16xf32>,
        %swap3A_100 = vector.shape_cast %swap3A_99 : vector<1x16xf32> to vector<16xf32>
        %swap3A_101 = vector.shape_cast %broadcast_in_dim3A_96 : vector<16xf32> to vector<1x16xf32>
        tpu.vector_store %arg10[%swap3A_97, %swap3A_98], %swap3A_101 {strides = array<i32>} : memref<1x128xf32, #tpu.memory_space<vmem>>, vector<1x16xf32>,
      }
      %scan3A_90 = arith.constant 8 : i32
      "tpu.region"() ({
        %run_scoped3A = tpu.sem_alloc : memref<!tpu.dma_semaphore, #tpu.memory_space<semaphore_mem>>
        %dma_start3A = arith.constant 0 : i32
        %dma_start3A_91 = arith.constant 0 : i32
        %dma_start3A_92 = tpu.memref_slice %arg6[%dma_start3A, %dma_start3A_91] : memref<300x128xf32, #tpu.memory_space<vmem_shared>> -> memref<1x128xf32, #tpu.memory_space<vmem_shared>>
        %dma_start3A_93 = arith.constant 0 : i32
        %dma_start3A_94 = arith.constant 0 : i32
        %dma_start3A_95 = tpu.memref_slice %arg6[%dma_start3A_93, %dma_start3A_94] : memref<300x128xf32, #tpu.memory_space<vmem_shared>> -> memref<1x128xf32, #tpu.memory_space<vmem_shared>>
        tpu.enqueue_dma source(%arg10 : memref<1x128xf32, #tpu.memory_space<vmem>>) target(%dma_start3A_95 : memref<1x128xf32, #tpu.memory_space<vmem_shared>>) target_semaphore(%run_scoped3A : memref<!tpu.dma_semaphore, #tpu.memory_space<semaphore_mem>>)
        %dma_wait3A_96 = arith.constant 0 : i32
        %dma_wait3A_97 = arith.constant 0 : i32
        %dma_wait3A_98 = tpu.memref_slice %arg6[%dma_wait3A_96, %dma_wait3A_97] : memref<300x128xf32, #tpu.memory_space<vmem_shared>> -> memref<1x128xf32, #tpu.memory_space<vmem_shared>>
        %dma_wait3A_99 = arith.constant 0 : i32
        %dma_wait3A_100 = arith.constant 0 : i32
        %dma_wait3A_101 = tpu.memref_slice %arg6[%dma_wait3A_99, %dma_wait3A_100] : memref<300x128xf32, #tpu.memory_space<vmem_shared>> -> memref<1x128xf32, #tpu.memory_space<vmem_shared>>
        tpu.wait_dma2 semaphore(%run_scoped3A : memref<!tpu.dma_semaphore, #tpu.memory_space<semaphore_mem>>) src(%arg10 : memref<1x128xf32, #tpu.memory_space<vmem>>) dst(%dma_wait3A_101 : memref<1x128xf32, #tpu.memory_space<vmem_shared>>)
        tpu.yield
      }) : () -> ()
    } else {
    }
    %mul3A_3 = arith.constant 3200 : i32
    %mul3A_4 = arith.muli %add3A, %mul3A_3 : i32
    %min3A = arith.constant 96800 : i32
    %min3A_5 = arith.minsi %mul3A_4, %min3A : i32
    "tpu.region"() ({
      %run_scoped3A = tpu.sem_alloc : memref<!tpu.dma_semaphore, #tpu.memory_space<semaphore_mem>>
      %dma_start3A = tpu.memref_slice %arg3[%min3A_5] : memref<100000xi32, #tpu.memory_space<hbm>> -> memref<3200xi32, #tpu.memory_space<hbm>>
      %dma_start3A_86 = tpu.memref_slice %arg3[%min3A_5] : memref<100000xi32, #tpu.memory_space<hbm>> -> memref<3200xi32, #tpu.memory_space<hbm>>
      tpu.enqueue_dma source(%dma_start3A_86 : memref<3200xi32, #tpu.memory_space<hbm>>) target(%arg7 : memref<3200xi32, #tpu.memory_space<vmem>>) target_semaphore(%run_scoped3A : memref<!tpu.dma_semaphore, #tpu.memory_space<semaphore_mem>>)
      %dma_wait3A_87 = tpu.memref_slice %arg3[%min3A_5] : memref<100000xi32, #tpu.memory_space<hbm>> -> memref<3200xi32, #tpu.memory_space<hbm>>
      %dma_wait3A_88 = tpu.memref_slice %arg3[%min3A_5] : memref<100000xi32, #tpu.memory_space<hbm>> -> memref<3200xi32, #tpu.memory_space<hbm>>
      tpu.wait_dma2 semaphore(%run_scoped3A : memref<!tpu.dma_semaphore, #tpu.memory_space<semaphore_mem>>) src(%dma_wait3A_88 : memref<3200xi32, #tpu.memory_space<hbm>>) dst(%arg7 : memref<3200xi32, #tpu.memory_space<vmem>>)
      tpu.yield
    }) : () -> ()
    "tpu.region"() ({
      %run_scoped3A = tpu.sem_alloc : memref<!tpu.dma_semaphore, #tpu.memory_space<semaphore_mem>>
      %dma_start3A = tpu.memref_slice %arg4[%min3A_5] : memref<100000xi32, #tpu.memory_space<hbm>> -> memref<3200xi32, #tpu.memory_space<hbm>>
      %dma_start3A_86 = tpu.memref_slice %arg4[%min3A_5] : memref<100000xi32, #tpu.memory_space<hbm>> -> memref<3200xi32, #tpu.memory_space<hbm>>
      tpu.enqueue_dma source(%dma_start3A_86 : memref<3200xi32, #tpu.memory_space<hbm>>) target(%arg8 : memref<3200xi32, #tpu.memory_space<vmem>>) target_semaphore(%run_scoped3A : memref<!tpu.dma_semaphore, #tpu.memory_space<semaphore_mem>>)
      %dma_wait3A_87 = tpu.memref_slice %arg4[%min3A_5] : memref<100000xi32, #tpu.memory_space<hbm>> -> memref<3200xi32, #tpu.memory_space<hbm>>
      %dma_wait3A_88 = tpu.memref_slice %arg4[%min3A_5] : memref<100000xi32, #tpu.memory_space<hbm>> -> memref<3200xi32, #tpu.memory_space<hbm>>
      tpu.wait_dma2 semaphore(%run_scoped3A : memref<!tpu.dma_semaphore, #tpu.memory_space<semaphore_mem>>) src(%dma_wait3A_88 : memref<3200xi32, #tpu.memory_space<hbm>>) dst(%arg8 : memref<3200xi32, #tpu.memory_space<vmem>>)
      tpu.yield
    }) : () -> ()
    %scan3A = arith.constant 0 : i32
    %scan3A_6 = arith.constant 200 : i32
    %scan3A_7 = arith.addi %scan3A, %scan3A_6 : i32
    %scan3A_8 = arith.constant 1 : i32
    scf.for %scan3A_86 = %scan3A to %scan3A_7 step %scan3A_8  : i32 {
      %mul3A_87 = arith.constant 16 : i32
      %mul3A_88 = arith.muli %scan3A_86, %mul3A_87 : i32
      %add3A_89 = arith.constant 0 : i32
      %add3A_90 = arith.addi %add3A_89, %mul3A_88 : i32
      %get3A = arith.index_cast %add3A_90 : i32 to index
      %get3A_91 = tpu.vector_load %arg7[%get3A] {strides = array<i32>} : memref<3200xi32, #tpu.memory_space<vmem>>, vector<16xi32>,
      %get3A_92 = vector.shape_cast %get3A_91 : vector<16xi32> to vector<16xi32>
      %get3A_93 = arith.index_cast %add3A_90 : i32 to index
      %get3A_94 = tpu.vector_load %arg8[%get3A_93] {strides = array<i32>} : memref<3200xi32, #tpu.memory_space<vmem>>, vector<16xi32>,
      %get3A_95 = vector.shape_cast %get3A_94 : vector<16xi32> to vector<16xi32>
      %mul3A_96 = arith.constant 100 : i32
      %mul3A_97 = vector.broadcast %mul3A_96 : i32 to vector<16xi32>
      %mul3A_98 = arith.muli %get3A_95, %mul3A_97 : vector<16xi32>
      %add3A_99 = arith.addi %get3A_92, %mul3A_98 : vector<16xi32>
      %swap3A = arith.index_cast %add3A_90 : i32 to index
      %swap3A_100 = tpu.vector_load %arg9[%swap3A] {strides = array<i32>} : memref<3200xi32, #tpu.memory_space<vmem>>, vector<16xi32>,
      %swap3A_101 = vector.shape_cast %swap3A_100 : vector<16xi32> to vector<16xi32>
      %swap3A_102 = vector.shape_cast %add3A_99 : vector<16xi32> to vector<16xi32>
      tpu.vector_store %arg9[%swap3A], %swap3A_102 {strides = array<i32>} : memref<3200xi32, #tpu.memory_space<vmem>>, vector<16xi32>,
    }
    %scan3A_9 = arith.constant 200 : i32
    %barrier3A = arith.constant 0 : index
    tpu.barrier barrier_id(%barrier3A)
    %scan3A_10 = arith.constant 0 : i32
    %scan3A_11 = arith.constant 5 : i32
    %scan3A_12 = arith.addi %scan3A_10, %scan3A_11 : i32
    %scan3A_13 = arith.constant 1 : i32
    scf.for %scan3A_86 = %scan3A_10 to %scan3A_12 step %scan3A_13  : i32 {
      %mul3A_87 = arith.constant 1 : i32
      %mul3A_88 = arith.muli %scan3A_86, %mul3A_87 : i32
      %add3A_89 = arith.constant 0 : i32
      %add3A_90 = arith.addi %add3A_89, %mul3A_88 : i32
      %mul3A_91 = arith.constant 12 : i32
      %mul3A_92 = arith.muli %add3A_90, %mul3A_91 : i32
      %add3A_93 = arith.constant 0 : i32
      %add3A_94 = arith.addi %mul3A_92, %add3A_93 : i32
      %lt3A = arith.constant 50 : i32
      %lt3A_95 = arith.cmpi slt, %add3A_94, %lt3A : i32
      %convert_element_type3A_96 = arith.extui %lt3A_95 : i1 to i32
      %cond3A_97 = arith.constant 0 : i32
      %cond3A_98 = arith.cmpi ne, %convert_element_type3A_96, %cond3A_97 : i32
      scf.if %cond3A_98 {
        %gt3A = arith.constant 0 : i32
        %gt3A_291 = arith.cmpi sgt, %add3A_90, %gt3A : i32
        %convert_element_type3A_292 = arith.extui %gt3A_291 : i1 to i32
        %cond3A_293 = arith.constant 0 : i32
        %cond3A_294 = arith.cmpi ne, %convert_element_type3A_292, %cond3A_293 : i32
        scf.if %cond3A_294 {
          %dma_wait3A_300 = arith.constant 0 : i32
          %dma_wait3A_301 = arith.constant 0 : i32
          %dma_wait3A_302 = tpu.memref_slice %arg5[%dma_wait3A_300, %dma_wait3A_301] : memref<100000x128xf32, #tpu.memory_space<hbm>> -> memref<64x128xf32, #tpu.memory_space<hbm>>
          %dma_wait3A_303 = arith.constant 0 : i32
          %dma_wait3A_304 = arith.constant 0 : i32
          %dma_wait3A_305 = tpu.memref_slice %arg5[%dma_wait3A_303, %dma_wait3A_304] : memref<100000x128xf32, #tpu.memory_space<hbm>> -> memref<64x128xf32, #tpu.memory_space<hbm>>
          tpu.wait_dma2 semaphore(%arg23 : memref<!tpu.dma_semaphore, #tpu.memory_space<semaphore_mem>>) src(%arg11 : memref<64x128xf32, #tpu.memory_space<vmem>>) dst(%dma_wait3A_305 : memref<64x128xf32, #tpu.memory_space<hbm>>)
        } else {
        }
        %mul3A_295 = arith.constant 64 : i32
        %mul3A_296 = arith.muli %add3A_94, %mul3A_295 : i32
        %dma_start3A = tpu.memref_slice %arg9[%mul3A_296] : memref<3200xi32, #tpu.memory_space<vmem>> -> memref<64xi32, #tpu.memory_space<vmem>>
        %dma_start3A_297 = arith.constant 0 : i32
        %dma_start3A_298 = arith.constant 0 : i32
        %dma_start3A_299 = tpu.memref_slice %arg6[%dma_start3A_297, %dma_start3A_298] : memref<300x128xf32, #tpu.memory_space<vmem_shared>> -> memref<300x128xf32, #tpu.memory_space<vmem_shared>>
        tpu.enqueue_indirect_dma source(%dma_start3A_299 : memref<300x128xf32, #tpu.memory_space<vmem_shared>>) target(%arg11 : memref<64x128xf32, #tpu.memory_space<vmem>>) offsets(%dma_start3A : memref<64xi32, #tpu.memory_space<vmem>>) semaphore(%arg35 : memref<!tpu.dma_semaphore, #tpu.memory_space<semaphore_mem>>)
      } else {
      }
      %ge3A = arith.constant 2 : i32
      %ge3A_99 = arith.cmpi sge, %add3A_94, %ge3A : i32
      %le3A = arith.constant 51 : i32
      %le3A_100 = arith.cmpi sle, %add3A_94, %le3A : i32
      %and3A = arith.andi %ge3A_99, %le3A_100 : i1
      %convert_element_type3A_101 = arith.extui %and3A : i1 to i32
      %cond3A_102 = arith.constant 0 : i32
      %cond3A_103 = arith.cmpi ne, %convert_element_type3A_101, %cond3A_102 : i32
      scf.if %cond3A_103 {
        %sub3A = arith.constant 2 : i32
        %sub3A_291 = arith.subi %add3A_94, %sub3A : i32
        %mul3A_292 = arith.constant 64 : i32
        %mul3A_293 = arith.muli %sub3A_291, %mul3A_292 : i32
        %dma_wait3A_294 = tpu.memref_slice %arg9[%mul3A_293] : memref<3200xi32, #tpu.memory_space<vmem>> -> memref<64xi32, #tpu.memory_space<vmem>>
        %dma_wait3A_295 = arith.constant 0 : i32
        %dma_wait3A_296 = arith.constant 0 : i32
        %dma_wait3A_297 = tpu.memref_slice %arg6[%dma_wait3A_295, %dma_wait3A_296] : memref<300x128xf32, #tpu.memory_space<vmem_shared>> -> memref<300x128xf32, #tpu.memory_space<vmem_shared>>
        tpu.wait_indirect_dma semaphore(%arg45 : memref<!tpu.dma_semaphore, #tpu.memory_space<semaphore_mem>>) src(%dma_wait3A_297 : memref<300x128xf32, #tpu.memory_space<vmem_shared>>) dst(%arg21 : memref<64x128xf32, #tpu.memory_space<vmem>>)
        %sub3A_298 = arith.constant 2 : i32
        %sub3A_299 = arith.subi %add3A_94, %sub3A_298 : i32
        %mul3A_300 = arith.constant 64 : i32
        %mul3A_301 = arith.muli %sub3A_299, %mul3A_300 : i32
        %add3A_302 = arith.addi %min3A_5, %mul3A_301 : i32
        %dma_start3A = arith.constant 0 : i32
        %dma_start3A_303 = tpu.memref_slice %arg5[%add3A_302, %dma_start3A] : memref<100000x128xf32, #tpu.memory_space<hbm>> -> memref<64x128xf32, #tpu.memory_space<hbm>>
        %dma_start3A_304 = arith.constant 0 : i32
        %dma_start3A_305 = tpu.memref_slice %arg5[%add3A_302, %dma_start3A_304] : memref<100000x128xf32, #tpu.memory_space<hbm>> -> memref<64x128xf32, #tpu.memory_space<hbm>>
        tpu.enqueue_dma source(%arg21 : memref<64x128xf32, #tpu.memory_space<vmem>>) target(%dma_start3A_305 : memref<64x128xf32, #tpu.memory_space<hbm>>) target_semaphore(%arg33 : memref<!tpu.dma_semaphore, #tpu.memory_space<semaphore_mem>>)
      } else {
      }
      %mul3A_104 = arith.constant 12 : i32
      %mul3A_105 = arith.muli %add3A_90, %mul3A_104 : i32
      %add3A_106 = arith.constant 1 : i32
      %add3A_107 = arith.addi %mul3A_105, %add3A_106 : i32
      %lt3A_108 = arith.constant 50 : i32
      %lt3A_109 = arith.cmpi slt, %add3A_107, %lt3A_108 : i32
      %convert_element_type3A_110 = arith.extui %lt3A_109 : i1 to i32
      %cond3A_111 = arith.constant 0 : i32
      %cond3A_112 = arith.cmpi ne, %convert_element_type3A_110, %cond3A_111 : i32
      scf.if %cond3A_112 {
        %gt3A = arith.constant 0 : i32
        %gt3A_291 = arith.cmpi sgt, %add3A_90, %gt3A : i32
        %convert_element_type3A_292 = arith.extui %gt3A_291 : i1 to i32
        %cond3A_293 = arith.constant 0 : i32
        %cond3A_294 = arith.cmpi ne, %convert_element_type3A_292, %cond3A_293 : i32
        scf.if %cond3A_294 {
          %dma_wait3A_300 = arith.constant 0 : i32
          %dma_wait3A_301 = arith.constant 0 : i32
          %dma_wait3A_302 = tpu.memref_slice %arg5[%dma_wait3A_300, %dma_wait3A_301] : memref<100000x128xf32, #tpu.memory_space<hbm>> -> memref<64x128xf32, #tpu.memory_space<hbm>>
          %dma_wait3A_303 = arith.constant 0 : i32
          %dma_wait3A_304 = arith.constant 0 : i32
          %dma_wait3A_305 = tpu.memref_slice %arg5[%dma_wait3A_303, %dma_wait3A_304] : memref<100000x128xf32, #tpu.memory_space<hbm>> -> memref<64x128xf32, #tpu.memory_space<hbm>>
          tpu.wait_dma2 semaphore(%arg24 : memref<!tpu.dma_semaphore, #tpu.memory_space<semaphore_mem>>) src(%arg12 : memref<64x128xf32, #tpu.memory_space<vmem>>) dst(%dma_wait3A_305 : memref<64x128xf32, #tpu.memory_space<hbm>>)
        } else {
        }
        %mul3A_295 = arith.constant 64 : i32
        %mul3A_296 = arith.muli %add3A_107, %mul3A_295 : i32
        %dma_start3A = tpu.memref_slice %arg9[%mul3A_296] : memref<3200xi32, #tpu.memory_space<vmem>> -> memref<64xi32, #tpu.memory_space<vmem>>
        %dma_start3A_297 = arith.constant 0 : i32
        %dma_start3A_298 = arith.constant 0 : i32
        %dma_start3A_299 = tpu.memref_slice %arg6[%dma_start3A_297, %dma_start3A_298] : memref<300x128xf32, #tpu.memory_space<vmem_shared>> -> memref<300x128xf32, #tpu.memory_space<vmem_shared>>
        tpu.enqueue_indirect_dma source(%dma_start3A_299 : memref<300x128xf32, #tpu.memory_space<vmem_shared>>) target(%arg12 : memref<64x128xf32, #tpu.memory_space<vmem>>) offsets(%dma_start3A : memref<64xi32, #tpu.memory_space<vmem>>) semaphore(%arg36 : memref<!tpu.dma_semaphore, #tpu.memory_space<semaphore_mem>>)
      } else {
      }
      %ge3A_113 = arith.constant 2 : i32
      %ge3A_114 = arith.cmpi sge, %add3A_107, %ge3A_113 : i32
      %le3A_115 = arith.constant 51 : i32
      %le3A_116 = arith.cmpi sle, %add3A_107, %le3A_115 : i32
      %and3A_117 = arith.andi %ge3A_114, %le3A_116 : i1
      %convert_element_type3A_118 = arith.extui %and3A_117 : i1 to i32
      %cond3A_119 = arith.constant 0 : i32
      %cond3A_120 = arith.cmpi ne, %convert_element_type3A_118, %cond3A_119 : i32
      scf.if %cond3A_120 {
        %sub3A = arith.constant 2 : i32
        %sub3A_291 = arith.subi %add3A_107, %sub3A : i32
        %mul3A_292 = arith.constant 64 : i32
        %mul3A_293 = arith.muli %sub3A_291, %mul3A_292 : i32
        %dma_wait3A_294 = tpu.memref_slice %arg9[%mul3A_293] : memref<3200xi32, #tpu.memory_space<vmem>> -> memref<64xi32, #tpu.memory_space<vmem>>
        %dma_wait3A_295 = arith.constant 0 : i32
        %dma_wait3A_296 = arith.constant 0 : i32
        %dma_wait3A_297 = tpu.memref_slice %arg6[%dma_wait3A_295, %dma_wait3A_296] : memref<300x128xf32, #tpu.memory_space<vmem_shared>> -> memref<300x128xf32, #tpu.memory_space<vmem_shared>>
        tpu.wait_indirect_dma semaphore(%arg46 : memref<!tpu.dma_semaphore, #tpu.memory_space<semaphore_mem>>) src(%dma_wait3A_297 : memref<300x128xf32, #tpu.memory_space<vmem_shared>>) dst(%arg22 : memref<64x128xf32, #tpu.memory_space<vmem>>)
        %sub3A_298 = arith.constant 2 : i32
        %sub3A_299 = arith.subi %add3A_107, %sub3A_298 : i32
        %mul3A_300 = arith.constant 64 : i32
        %mul3A_301 = arith.muli %sub3A_299, %mul3A_300 : i32
        %add3A_302 = arith.addi %min3A_5, %mul3A_301 : i32
        %dma_start3A = arith.constant 0 : i32
        %dma_start3A_303 = tpu.memref_slice %arg5[%add3A_302, %dma_start3A] : memref<100000x128xf32, #tpu.memory_space<hbm>> -> memref<64x128xf32, #tpu.memory_space<hbm>>
        %dma_start3A_304 = arith.constant 0 : i32
        %dma_start3A_305 = tpu.memref_slice %arg5[%add3A_302, %dma_start3A_304] : memref<100000x128xf32, #tpu.memory_space<hbm>> -> memref<64x128xf32, #tpu.memory_space<hbm>>
        tpu.enqueue_dma source(%arg22 : memref<64x128xf32, #tpu.memory_space<vmem>>) target(%dma_start3A_305 : memref<64x128xf32, #tpu.memory_space<hbm>>) target_semaphore(%arg34 : memref<!tpu.dma_semaphore, #tpu.memory_space<semaphore_mem>>)
      } else {
      }
      %mul3A_121 = arith.constant 12 : i32
      %mul3A_122 = arith.muli %add3A_90, %mul3A_121 : i32
      %add3A_123 = arith.constant 2 : i32
      %add3A_124 = arith.addi %mul3A_122, %add3A_123 : i32
      %lt3A_125 = arith.constant 50 : i32
      %lt3A_126 = arith.cmpi slt, %add3A_124, %lt3A_125 : i32
      %convert_element_type3A_127 = arith.extui %lt3A_126 : i1 to i32
      %cond3A_128 = arith.constant 0 : i32
      %cond3A_129 = arith.cmpi ne, %convert_element_type3A_127, %cond3A_128 : i32
      scf.if %cond3A_129 {
        %gt3A = arith.constant 0 : i32
        %gt3A_291 = arith.cmpi sgt, %add3A_90, %gt3A : i32
        %convert_element_type3A_292 = arith.extui %gt3A_291 : i1 to i32
        %cond3A_293 = arith.constant 0 : i32
        %cond3A_294 = arith.cmpi ne, %convert_element_type3A_292, %cond3A_293 : i32
        scf.if %cond3A_294 {
          %dma_wait3A_300 = arith.constant 0 : i32
          %dma_wait3A_301 = arith.constant 0 : i32
          %dma_wait3A_302 = tpu.memref_slice %arg5[%dma_wait3A_300, %dma_wait3A_301] : memref<100000x128xf32, #tpu.memory_space<hbm>> -> memref<64x128xf32, #tpu.memory_space<hbm>>
          %dma_wait3A_303 = arith.constant 0 : i32
          %dma_wait3A_304 = arith.constant 0 : i32
          %dma_wait3A_305 = tpu.memref_slice %arg5[%dma_wait3A_303, %dma_wait3A_304] : memref<100000x128xf32, #tpu.memory_space<hbm>> -> memref<64x128xf32, #tpu.memory_space<hbm>>
          tpu.wait_dma2 semaphore(%arg25 : memref<!tpu.dma_semaphore, #tpu.memory_space<semaphore_mem>>) src(%arg13 : memref<64x128xf32, #tpu.memory_space<vmem>>) dst(%dma_wait3A_305 : memref<64x128xf32, #tpu.memory_space<hbm>>)
        } else {
        }
        %mul3A_295 = arith.constant 64 : i32
        %mul3A_296 = arith.muli %add3A_124, %mul3A_295 : i32
        %dma_start3A = tpu.memref_slice %arg9[%mul3A_296] : memref<3200xi32, #tpu.memory_space<vmem>> -> memref<64xi32, #tpu.memory_space<vmem>>
        %dma_start3A_297 = arith.constant 0 : i32
        %dma_start3A_298 = arith.constant 0 : i32
        %dma_start3A_299 = tpu.memref_slice %arg6[%dma_start3A_297, %dma_start3A_298] : memref<300x128xf32, #tpu.memory_space<vmem_shared>> -> memref<300x128xf32, #tpu.memory_space<vmem_shared>>
        tpu.enqueue_indirect_dma source(%dma_start3A_299 : memref<300x128xf32, #tpu.memory_space<vmem_shared>>) target(%arg13 : memref<64x128xf32, #tpu.memory_space<vmem>>) offsets(%dma_start3A : memref<64xi32, #tpu.memory_space<vmem>>) semaphore(%arg37 : memref<!tpu.dma_semaphore, #tpu.memory_space<semaphore_mem>>)
      } else {
      }
      %ge3A_130 = arith.constant 2 : i32
      %ge3A_131 = arith.cmpi sge, %add3A_124, %ge3A_130 : i32
      %le3A_132 = arith.constant 51 : i32
      %le3A_133 = arith.cmpi sle, %add3A_124, %le3A_132 : i32
      %and3A_134 = arith.andi %ge3A_131, %le3A_133 : i1
      %convert_element_type3A_135 = arith.extui %and3A_134 : i1 to i32
      %cond3A_136 = arith.constant 0 : i32
      %cond3A_137 = arith.cmpi ne, %convert_element_type3A_135, %cond3A_136 : i32
      scf.if %cond3A_137 {
        %sub3A = arith.constant 2 : i32
        %sub3A_291 = arith.subi %add3A_124, %sub3A : i32
        %mul3A_292 = arith.constant 64 : i32
        %mul3A_293 = arith.muli %sub3A_291, %mul3A_292 : i32
        %dma_wait3A_294 = tpu.memref_slice %arg9[%mul3A_293] : memref<3200xi32, #tpu.memory_space<vmem>> -> memref<64xi32, #tpu.memory_space<vmem>>
        %dma_wait3A_295 = arith.constant 0 : i32
        %dma_wait3A_296 = arith.constant 0 : i32
        %dma_wait3A_297 = tpu.memref_slice %arg6[%dma_wait3A_295, %dma_wait3A_296] : memref<300x128xf32, #tpu.memory_space<vmem_shared>> -> memref<300x128xf32, #tpu.memory_space<vmem_shared>>
        tpu.wait_indirect_dma semaphore(%arg35 : memref<!tpu.dma_semaphore, #tpu.memory_space<semaphore_mem>>) src(%dma_wait3A_297 : memref<300x128xf32, #tpu.memory_space<vmem_shared>>) dst(%arg11 : memref<64x128xf32, #tpu.memory_space<vmem>>)
        %sub3A_298 = arith.constant 2 : i32
        %sub3A_299 = arith.subi %add3A_124, %sub3A_298 : i32
        %mul3A_300 = arith.constant 64 : i32
        %mul3A_301 = arith.muli %sub3A_299, %mul3A_300 : i32
        %add3A_302 = arith.addi %min3A_5, %mul3A_301 : i32
        %dma_start3A = arith.constant 0 : i32
        %dma_start3A_303 = tpu.memref_slice %arg5[%add3A_302, %dma_start3A] : memref<100000x128xf32, #tpu.memory_space<hbm>> -> memref<64x128xf32, #tpu.memory_space<hbm>>
        %dma_start3A_304 = arith.constant 0 : i32
        %dma_start3A_305 = tpu.memref_slice %arg5[%add3A_302, %dma_start3A_304] : memref<100000x128xf32, #tpu.memory_space<hbm>> -> memref<64x128xf32, #tpu.memory_space<hbm>>
        tpu.enqueue_dma source(%arg11 : memref<64x128xf32, #tpu.memory_space<vmem>>) target(%dma_start3A_305 : memref<64x128xf32, #tpu.memory_space<hbm>>) target_semaphore(%arg23 : memref<!tpu.dma_semaphore, #tpu.memory_space<semaphore_mem>>)
      } else {
      }
      %mul3A_138 = arith.constant 12 : i32
      %mul3A_139 = arith.muli %add3A_90, %mul3A_138 : i32
      %add3A_140 = arith.constant 3 : i32
      %add3A_141 = arith.addi %mul3A_139, %add3A_140 : i32
      %lt3A_142 = arith.constant 50 : i32
      %lt3A_143 = arith.cmpi slt, %add3A_141, %lt3A_142 : i32
      %convert_element_type3A_144 = arith.extui %lt3A_143 : i1 to i32
      %cond3A_145 = arith.constant 0 : i32
      %cond3A_146 = arith.cmpi ne, %convert_element_type3A_144, %cond3A_145 : i32
      scf.if %cond3A_146 {
        %gt3A = arith.constant 0 : i32
        %gt3A_291 = arith.cmpi sgt, %add3A_90, %gt3A : i32
        %convert_element_type3A_292 = arith.extui %gt3A_291 : i1 to i32
        %cond3A_293 = arith.constant 0 : i32
        %cond3A_294 = arith.cmpi ne, %convert_element_type3A_292, %cond3A_293 : i32
        scf.if %cond3A_294 {
          %dma_wait3A_300 = arith.constant 0 : i32
          %dma_wait3A_301 = arith.constant 0 : i32
          %dma_wait3A_302 = tpu.memref_slice %arg5[%dma_wait3A_300, %dma_wait3A_301] : memref<100000x128xf32, #tpu.memory_space<hbm>> -> memref<64x128xf32, #tpu.memory_space<hbm>>
          %dma_wait3A_303 = arith.constant 0 : i32
          %dma_wait3A_304 = arith.constant 0 : i32
          %dma_wait3A_305 = tpu.memref_slice %arg5[%dma_wait3A_303, %dma_wait3A_304] : memref<100000x128xf32, #tpu.memory_space<hbm>> -> memref<64x128xf32, #tpu.memory_space<hbm>>
          tpu.wait_dma2 semaphore(%arg26 : memref<!tpu.dma_semaphore, #tpu.memory_space<semaphore_mem>>) src(%arg14 : memref<64x128xf32, #tpu.memory_space<vmem>>) dst(%dma_wait3A_305 : memref<64x128xf32, #tpu.memory_space<hbm>>)
        } else {
        }
        %mul3A_295 = arith.constant 64 : i32
        %mul3A_296 = arith.muli %add3A_141, %mul3A_295 : i32
        %dma_start3A = tpu.memref_slice %arg9[%mul3A_296] : memref<3200xi32, #tpu.memory_space<vmem>> -> memref<64xi32, #tpu.memory_space<vmem>>
        %dma_start3A_297 = arith.constant 0 : i32
        %dma_start3A_298 = arith.constant 0 : i32
        %dma_start3A_299 = tpu.memref_slice %arg6[%dma_start3A_297, %dma_start3A_298] : memref<300x128xf32, #tpu.memory_space<vmem_shared>> -> memref<300x128xf32, #tpu.memory_space<vmem_shared>>
        tpu.enqueue_indirect_dma source(%dma_start3A_299 : memref<300x128xf32, #tpu.memory_space<vmem_shared>>) target(%arg14 : memref<64x128xf32, #tpu.memory_space<vmem>>) offsets(%dma_start3A : memref<64xi32, #tpu.memory_space<vmem>>) semaphore(%arg38 : memref<!tpu.dma_semaphore, #tpu.memory_space<semaphore_mem>>)
      } else {
      }
      %ge3A_147 = arith.constant 2 : i32
      %ge3A_148 = arith.cmpi sge, %add3A_141, %ge3A_147 : i32
      %le3A_149 = arith.constant 51 : i32
      %le3A_150 = arith.cmpi sle, %add3A_141, %le3A_149 : i32
      %and3A_151 = arith.andi %ge3A_148, %le3A_150 : i1
      %convert_element_type3A_152 = arith.extui %and3A_151 : i1 to i32
      %cond3A_153 = arith.constant 0 : i32
      %cond3A_154 = arith.cmpi ne, %convert_element_type3A_152, %cond3A_153 : i32
      scf.if %cond3A_154 {
        %sub3A = arith.constant 2 : i32
        %sub3A_291 = arith.subi %add3A_141, %sub3A : i32
        %mul3A_292 = arith.constant 64 : i32
        %mul3A_293 = arith.muli %sub3A_291, %mul3A_292 : i32
        %dma_wait3A_294 = tpu.memref_slice %arg9[%mul3A_293] : memref<3200xi32, #tpu.memory_space<vmem>> -> memref<64xi32, #tpu.memory_space<vmem>>
        %dma_wait3A_295 = arith.constant 0 : i32
        %dma_wait3A_296 = arith.constant 0 : i32
        %dma_wait3A_297 = tpu.memref_slice %arg6[%dma_wait3A_295, %dma_wait3A_296] : memref<300x128xf32, #tpu.memory_space<vmem_shared>> -> memref<300x128xf32, #tpu.memory_space<vmem_shared>>
        tpu.wait_indirect_dma semaphore(%arg36 : memref<!tpu.dma_semaphore, #tpu.memory_space<semaphore_mem>>) src(%dma_wait3A_297 : memref<300x128xf32, #tpu.memory_space<vmem_shared>>) dst(%arg12 : memref<64x128xf32, #tpu.memory_space<vmem>>)
        %sub3A_298 = arith.constant 2 : i32
        %sub3A_299 = arith.subi %add3A_141, %sub3A_298 : i32
        %mul3A_300 = arith.constant 64 : i32
        %mul3A_301 = arith.muli %sub3A_299, %mul3A_300 : i32
        %add3A_302 = arith.addi %min3A_5, %mul3A_301 : i32
        %dma_start3A = arith.constant 0 : i32
        %dma_start3A_303 = tpu.memref_slice %arg5[%add3A_302, %dma_start3A] : memref<100000x128xf32, #tpu.memory_space<hbm>> -> memref<64x128xf32, #tpu.memory_space<hbm>>
        %dma_start3A_304 = arith.constant 0 : i32
        %dma_start3A_305 = tpu.memref_slice %arg5[%add3A_302, %dma_start3A_304] : memref<100000x128xf32, #tpu.memory_space<hbm>> -> memref<64x128xf32, #tpu.memory_space<hbm>>
        tpu.enqueue_dma source(%arg12 : memref<64x128xf32, #tpu.memory_space<vmem>>) target(%dma_start3A_305 : memref<64x128xf32, #tpu.memory_space<hbm>>) target_semaphore(%arg24 : memref<!tpu.dma_semaphore, #tpu.memory_space<semaphore_mem>>)
      } else {
      }
      %mul3A_155 = arith.constant 12 : i32
      %mul3A_156 = arith.muli %add3A_90, %mul3A_155 : i32
      %add3A_157 = arith.constant 4 : i32
      %add3A_158 = arith.addi %mul3A_156, %add3A_157 : i32
      %lt3A_159 = arith.constant 50 : i32
      %lt3A_160 = arith.cmpi slt, %add3A_158, %lt3A_159 : i32
      %convert_element_type3A_161 = arith.extui %lt3A_160 : i1 to i32
      %cond3A_162 = arith.constant 0 : i32
      %cond3A_163 = arith.cmpi ne, %convert_element_type3A_161, %cond3A_162 : i32
      scf.if %cond3A_163 {
        %gt3A = arith.constant 0 : i32
        %gt3A_291 = arith.cmpi sgt, %add3A_90, %gt3A : i32
        %convert_element_type3A_292 = arith.extui %gt3A_291 : i1 to i32
        %cond3A_293 = arith.constant 0 : i32
        %cond3A_294 = arith.cmpi ne, %convert_element_type3A_292, %cond3A_293 : i32
        scf.if %cond3A_294 {
          %dma_wait3A_300 = arith.constant 0 : i32
          %dma_wait3A_301 = arith.constant 0 : i32
          %dma_wait3A_302 = tpu.memref_slice %arg5[%dma_wait3A_300, %dma_wait3A_301] : memref<100000x128xf32, #tpu.memory_space<hbm>> -> memref<64x128xf32, #tpu.memory_space<hbm>>
          %dma_wait3A_303 = arith.constant 0 : i32
          %dma_wait3A_304 = arith.constant 0 : i32
          %dma_wait3A_305 = tpu.memref_slice %arg5[%dma_wait3A_303, %dma_wait3A_304] : memref<100000x128xf32, #tpu.memory_space<hbm>> -> memref<64x128xf32, #tpu.memory_space<hbm>>
          tpu.wait_dma2 semaphore(%arg27 : memref<!tpu.dma_semaphore, #tpu.memory_space<semaphore_mem>>) src(%arg15 : memref<64x128xf32, #tpu.memory_space<vmem>>) dst(%dma_wait3A_305 : memref<64x128xf32, #tpu.memory_space<hbm>>)
        } else {
        }
        %mul3A_295 = arith.constant 64 : i32
        %mul3A_296 = arith.muli %add3A_158, %mul3A_295 : i32
        %dma_start3A = tpu.memref_slice %arg9[%mul3A_296] : memref<3200xi32, #tpu.memory_space<vmem>> -> memref<64xi32, #tpu.memory_space<vmem>>
        %dma_start3A_297 = arith.constant 0 : i32
        %dma_start3A_298 = arith.constant 0 : i32
        %dma_start3A_299 = tpu.memref_slice %arg6[%dma_start3A_297, %dma_start3A_298] : memref<300x128xf32, #tpu.memory_space<vmem_shared>> -> memref<300x128xf32, #tpu.memory_space<vmem_shared>>
        tpu.enqueue_indirect_dma source(%dma_start3A_299 : memref<300x128xf32, #tpu.memory_space<vmem_shared>>) target(%arg15 : memref<64x128xf32, #tpu.memory_space<vmem>>) offsets(%dma_start3A : memref<64xi32, #tpu.memory_space<vmem>>) semaphore(%arg39 : memref<!tpu.dma_semaphore, #tpu.memory_space<semaphore_mem>>)
      } else {
      }
      %ge3A_164 = arith.constant 2 : i32
      %ge3A_165 = arith.cmpi sge, %add3A_158, %ge3A_164 : i32
      %le3A_166 = arith.constant 51 : i32
      %le3A_167 = arith.cmpi sle, %add3A_158, %le3A_166 : i32
      %and3A_168 = arith.andi %ge3A_165, %le3A_167 : i1
      %convert_element_type3A_169 = arith.extui %and3A_168 : i1 to i32
      %cond3A_170 = arith.constant 0 : i32
      %cond3A_171 = arith.cmpi ne, %convert_element_type3A_169, %cond3A_170 : i32
      scf.if %cond3A_171 {
        %sub3A = arith.constant 2 : i32
        %sub3A_291 = arith.subi %add3A_158, %sub3A : i32
        %mul3A_292 = arith.constant 64 : i32
        %mul3A_293 = arith.muli %sub3A_291, %mul3A_292 : i32
        %dma_wait3A_294 = tpu.memref_slice %arg9[%mul3A_293] : memref<3200xi32, #tpu.memory_space<vmem>> -> memref<64xi32, #tpu.memory_space<vmem>>
        %dma_wait3A_295 = arith.constant 0 : i32
        %dma_wait3A_296 = arith.constant 0 : i32
        %dma_wait3A_297 = tpu.memref_slice %arg6[%dma_wait3A_295, %dma_wait3A_296] : memref<300x128xf32, #tpu.memory_space<vmem_shared>> -> memref<300x128xf32, #tpu.memory_space<vmem_shared>>
        tpu.wait_indirect_dma semaphore(%arg37 : memref<!tpu.dma_semaphore, #tpu.memory_space<semaphore_mem>>) src(%dma_wait3A_297 : memref<300x128xf32, #tpu.memory_space<vmem_shared>>) dst(%arg13 : memref<64x128xf32, #tpu.memory_space<vmem>>)
        %sub3A_298 = arith.constant 2 : i32
        %sub3A_299 = arith.subi %add3A_158, %sub3A_298 : i32
        %mul3A_300 = arith.constant 64 : i32
        %mul3A_301 = arith.muli %sub3A_299, %mul3A_300 : i32
        %add3A_302 = arith.addi %min3A_5, %mul3A_301 : i32
        %dma_start3A = arith.constant 0 : i32
        %dma_start3A_303 = tpu.memref_slice %arg5[%add3A_302, %dma_start3A] : memref<100000x128xf32, #tpu.memory_space<hbm>> -> memref<64x128xf32, #tpu.memory_space<hbm>>
        %dma_start3A_304 = arith.constant 0 : i32
        %dma_start3A_305 = tpu.memref_slice %arg5[%add3A_302, %dma_start3A_304] : memref<100000x128xf32, #tpu.memory_space<hbm>> -> memref<64x128xf32, #tpu.memory_space<hbm>>
        tpu.enqueue_dma source(%arg13 : memref<64x128xf32, #tpu.memory_space<vmem>>) target(%dma_start3A_305 : memref<64x128xf32, #tpu.memory_space<hbm>>) target_semaphore(%arg25 : memref<!tpu.dma_semaphore, #tpu.memory_space<semaphore_mem>>)
      } else {
      }
      %mul3A_172 = arith.constant 12 : i32
      %mul3A_173 = arith.muli %add3A_90, %mul3A_172 : i32
      %add3A_174 = arith.constant 5 : i32
      %add3A_175 = arith.addi %mul3A_173, %add3A_174 : i32
      %lt3A_176 = arith.constant 50 : i32
      %lt3A_177 = arith.cmpi slt, %add3A_175, %lt3A_176 : i32
      %convert_element_type3A_178 = arith.extui %lt3A_177 : i1 to i32
      %cond3A_179 = arith.constant 0 : i32
      %cond3A_180 = arith.cmpi ne, %convert_element_type3A_178, %cond3A_179 : i32
      scf.if %cond3A_180 {
        %gt3A = arith.constant 0 : i32
        %gt3A_291 = arith.cmpi sgt, %add3A_90, %gt3A : i32
        %convert_element_type3A_292 = arith.extui %gt3A_291 : i1 to i32
        %cond3A_293 = arith.constant 0 : i32
        %cond3A_294 = arith.cmpi ne, %convert_element_type3A_292, %cond3A_293 : i32
        scf.if %cond3A_294 {
          %dma_wait3A_300 = arith.constant 0 : i32
          %dma_wait3A_301 = arith.constant 0 : i32
          %dma_wait3A_302 = tpu.memref_slice %arg5[%dma_wait3A_300, %dma_wait3A_301] : memref<100000x128xf32, #tpu.memory_space<hbm>> -> memref<64x128xf32, #tpu.memory_space<hbm>>
          %dma_wait3A_303 = arith.constant 0 : i32
          %dma_wait3A_304 = arith.constant 0 : i32
          %dma_wait3A_305 = tpu.memref_slice %arg5[%dma_wait3A_303, %dma_wait3A_304] : memref<100000x128xf32, #tpu.memory_space<hbm>> -> memref<64x128xf32, #tpu.memory_space<hbm>>
          tpu.wait_dma2 semaphore(%arg28 : memref<!tpu.dma_semaphore, #tpu.memory_space<semaphore_mem>>) src(%arg16 : memref<64x128xf32, #tpu.memory_space<vmem>>) dst(%dma_wait3A_305 : memref<64x128xf32, #tpu.memory_space<hbm>>)
        } else {
        }
        %mul3A_295 = arith.constant 64 : i32
        %mul3A_296 = arith.muli %add3A_175, %mul3A_295 : i32
        %dma_start3A = tpu.memref_slice %arg9[%mul3A_296] : memref<3200xi32, #tpu.memory_space<vmem>> -> memref<64xi32, #tpu.memory_space<vmem>>
        %dma_start3A_297 = arith.constant 0 : i32
        %dma_start3A_298 = arith.constant 0 : i32
        %dma_start3A_299 = tpu.memref_slice %arg6[%dma_start3A_297, %dma_start3A_298] : memref<300x128xf32, #tpu.memory_space<vmem_shared>> -> memref<300x128xf32, #tpu.memory_space<vmem_shared>>
        tpu.enqueue_indirect_dma source(%dma_start3A_299 : memref<300x128xf32, #tpu.memory_space<vmem_shared>>) target(%arg16 : memref<64x128xf32, #tpu.memory_space<vmem>>) offsets(%dma_start3A : memref<64xi32, #tpu.memory_space<vmem>>) semaphore(%arg40 : memref<!tpu.dma_semaphore, #tpu.memory_space<semaphore_mem>>)
      } else {
      }
      %ge3A_181 = arith.constant 2 : i32
      %ge3A_182 = arith.cmpi sge, %add3A_175, %ge3A_181 : i32
      %le3A_183 = arith.constant 51 : i32
      %le3A_184 = arith.cmpi sle, %add3A_175, %le3A_183 : i32
      %and3A_185 = arith.andi %ge3A_182, %le3A_184 : i1
      %convert_element_type3A_186 = arith.extui %and3A_185 : i1 to i32
      %cond3A_187 = arith.constant 0 : i32
      %cond3A_188 = arith.cmpi ne, %convert_element_type3A_186, %cond3A_187 : i32
      scf.if %cond3A_188 {
        %sub3A = arith.constant 2 : i32
        %sub3A_291 = arith.subi %add3A_175, %sub3A : i32
        %mul3A_292 = arith.constant 64 : i32
        %mul3A_293 = arith.muli %sub3A_291, %mul3A_292 : i32
        %dma_wait3A_294 = tpu.memref_slice %arg9[%mul3A_293] : memref<3200xi32, #tpu.memory_space<vmem>> -> memref<64xi32, #tpu.memory_space<vmem>>
        %dma_wait3A_295 = arith.constant 0 : i32
        %dma_wait3A_296 = arith.constant 0 : i32
        %dma_wait3A_297 = tpu.memref_slice %arg6[%dma_wait3A_295, %dma_wait3A_296] : memref<300x128xf32, #tpu.memory_space<vmem_shared>> -> memref<300x128xf32, #tpu.memory_space<vmem_shared>>
        tpu.wait_indirect_dma semaphore(%arg38 : memref<!tpu.dma_semaphore, #tpu.memory_space<semaphore_mem>>) src(%dma_wait3A_297 : memref<300x128xf32, #tpu.memory_space<vmem_shared>>) dst(%arg14 : memref<64x128xf32, #tpu.memory_space<vmem>>)
        %sub3A_298 = arith.constant 2 : i32
        %sub3A_299 = arith.subi %add3A_175, %sub3A_298 : i32
        %mul3A_300 = arith.constant 64 : i32
        %mul3A_301 = arith.muli %sub3A_299, %mul3A_300 : i32
        %add3A_302 = arith.addi %min3A_5, %mul3A_301 : i32
        %dma_start3A = arith.constant 0 : i32
        %dma_start3A_303 = tpu.memref_slice %arg5[%add3A_302, %dma_start3A] : memref<100000x128xf32, #tpu.memory_space<hbm>> -> memref<64x128xf32, #tpu.memory_space<hbm>>
        %dma_start3A_304 = arith.constant 0 : i32
        %dma_start3A_305 = tpu.memref_slice %arg5[%add3A_302, %dma_start3A_304] : memref<100000x128xf32, #tpu.memory_space<hbm>> -> memref<64x128xf32, #tpu.memory_space<hbm>>
        tpu.enqueue_dma source(%arg14 : memref<64x128xf32, #tpu.memory_space<vmem>>) target(%dma_start3A_305 : memref<64x128xf32, #tpu.memory_space<hbm>>) target_semaphore(%arg26 : memref<!tpu.dma_semaphore, #tpu.memory_space<semaphore_mem>>)
      } else {
      }
      %mul3A_189 = arith.constant 12 : i32
      %mul3A_190 = arith.muli %add3A_90, %mul3A_189 : i32
      %add3A_191 = arith.constant 6 : i32
      %add3A_192 = arith.addi %mul3A_190, %add3A_191 : i32
      %lt3A_193 = arith.constant 50 : i32
      %lt3A_194 = arith.cmpi slt, %add3A_192, %lt3A_193 : i32
      %convert_element_type3A_195 = arith.extui %lt3A_194 : i1 to i32
      %cond3A_196 = arith.constant 0 : i32
      %cond3A_197 = arith.cmpi ne, %convert_element_type3A_195, %cond3A_196 : i32
      scf.if %cond3A_197 {
        %gt3A = arith.constant 0 : i32
        %gt3A_291 = arith.cmpi sgt, %add3A_90, %gt3A : i32
        %convert_element_type3A_292 = arith.extui %gt3A_291 : i1 to i32
        %cond3A_293 = arith.constant 0 : i32
        %cond3A_294 = arith.cmpi ne, %convert_element_type3A_292, %cond3A_293 : i32
        scf.if %cond3A_294 {
          %dma_wait3A_300 = arith.constant 0 : i32
          %dma_wait3A_301 = arith.constant 0 : i32
          %dma_wait3A_302 = tpu.memref_slice %arg5[%dma_wait3A_300, %dma_wait3A_301] : memref<100000x128xf32, #tpu.memory_space<hbm>> -> memref<64x128xf32, #tpu.memory_space<hbm>>
          %dma_wait3A_303 = arith.constant 0 : i32
          %dma_wait3A_304 = arith.constant 0 : i32
          %dma_wait3A_305 = tpu.memref_slice %arg5[%dma_wait3A_303, %dma_wait3A_304] : memref<100000x128xf32, #tpu.memory_space<hbm>> -> memref<64x128xf32, #tpu.memory_space<hbm>>
          tpu.wait_dma2 semaphore(%arg29 : memref<!tpu.dma_semaphore, #tpu.memory_space<semaphore_mem>>) src(%arg17 : memref<64x128xf32, #tpu.memory_space<vmem>>) dst(%dma_wait3A_305 : memref<64x128xf32, #tpu.memory_space<hbm>>)
        } else {
        }
        %mul3A_295 = arith.constant 64 : i32
        %mul3A_296 = arith.muli %add3A_192, %mul3A_295 : i32
        %dma_start3A = tpu.memref_slice %arg9[%mul3A_296] : memref<3200xi32, #tpu.memory_space<vmem>> -> memref<64xi32, #tpu.memory_space<vmem>>
        %dma_start3A_297 = arith.constant 0 : i32
        %dma_start3A_298 = arith.constant 0 : i32
        %dma_start3A_299 = tpu.memref_slice %arg6[%dma_start3A_297, %dma_start3A_298] : memref<300x128xf32, #tpu.memory_space<vmem_shared>> -> memref<300x128xf32, #tpu.memory_space<vmem_shared>>
        tpu.enqueue_indirect_dma source(%dma_start3A_299 : memref<300x128xf32, #tpu.memory_space<vmem_shared>>) target(%arg17 : memref<64x128xf32, #tpu.memory_space<vmem>>) offsets(%dma_start3A : memref<64xi32, #tpu.memory_space<vmem>>) semaphore(%arg41 : memref<!tpu.dma_semaphore, #tpu.memory_space<semaphore_mem>>)
      } else {
      }
      %ge3A_198 = arith.constant 2 : i32
      %ge3A_199 = arith.cmpi sge, %add3A_192, %ge3A_198 : i32
      %le3A_200 = arith.constant 51 : i32
      %le3A_201 = arith.cmpi sle, %add3A_192, %le3A_200 : i32
      %and3A_202 = arith.andi %ge3A_199, %le3A_201 : i1
      %convert_element_type3A_203 = arith.extui %and3A_202 : i1 to i32
      %cond3A_204 = arith.constant 0 : i32
      %cond3A_205 = arith.cmpi ne, %convert_element_type3A_203, %cond3A_204 : i32
      scf.if %cond3A_205 {
        %sub3A = arith.constant 2 : i32
        %sub3A_291 = arith.subi %add3A_192, %sub3A : i32
        %mul3A_292 = arith.constant 64 : i32
        %mul3A_293 = arith.muli %sub3A_291, %mul3A_292 : i32
        %dma_wait3A_294 = tpu.memref_slice %arg9[%mul3A_293] : memref<3200xi32, #tpu.memory_space<vmem>> -> memref<64xi32, #tpu.memory_space<vmem>>
        %dma_wait3A_295 = arith.constant 0 : i32
        %dma_wait3A_296 = arith.constant 0 : i32
        %dma_wait3A_297 = tpu.memref_slice %arg6[%dma_wait3A_295, %dma_wait3A_296] : memref<300x128xf32, #tpu.memory_space<vmem_shared>> -> memref<300x128xf32, #tpu.memory_space<vmem_shared>>
        tpu.wait_indirect_dma semaphore(%arg39 : memref<!tpu.dma_semaphore, #tpu.memory_space<semaphore_mem>>) src(%dma_wait3A_297 : memref<300x128xf32, #tpu.memory_space<vmem_shared>>) dst(%arg15 : memref<64x128xf32, #tpu.memory_space<vmem>>)
        %sub3A_298 = arith.constant 2 : i32
        %sub3A_299 = arith.subi %add3A_192, %sub3A_298 : i32
        %mul3A_300 = arith.constant 64 : i32
        %mul3A_301 = arith.muli %sub3A_299, %mul3A_300 : i32
        %add3A_302 = arith.addi %min3A_5, %mul3A_301 : i32
        %dma_start3A = arith.constant 0 : i32
        %dma_start3A_303 = tpu.memref_slice %arg5[%add3A_302, %dma_start3A] : memref<100000x128xf32, #tpu.memory_space<hbm>> -> memref<64x128xf32, #tpu.memory_space<hbm>>
        %dma_start3A_304 = arith.constant 0 : i32
        %dma_start3A_305 = tpu.memref_slice %arg5[%add3A_302, %dma_start3A_304] : memref<100000x128xf32, #tpu.memory_space<hbm>> -> memref<64x128xf32, #tpu.memory_space<hbm>>
        tpu.enqueue_dma source(%arg15 : memref<64x128xf32, #tpu.memory_space<vmem>>) target(%dma_start3A_305 : memref<64x128xf32, #tpu.memory_space<hbm>>) target_semaphore(%arg27 : memref<!tpu.dma_semaphore, #tpu.memory_space<semaphore_mem>>)
      } else {
      }
      %mul3A_206 = arith.constant 12 : i32
      %mul3A_207 = arith.muli %add3A_90, %mul3A_206 : i32
      %add3A_208 = arith.constant 7 : i32
      %add3A_209 = arith.addi %mul3A_207, %add3A_208 : i32
      %lt3A_210 = arith.constant 50 : i32
      %lt3A_211 = arith.cmpi slt, %add3A_209, %lt3A_210 : i32
      %convert_element_type3A_212 = arith.extui %lt3A_211 : i1 to i32
      %cond3A_213 = arith.constant 0 : i32
      %cond3A_214 = arith.cmpi ne, %convert_element_type3A_212, %cond3A_213 : i32
      scf.if %cond3A_214 {
        %gt3A = arith.constant 0 : i32
        %gt3A_291 = arith.cmpi sgt, %add3A_90, %gt3A : i32
        %convert_element_type3A_292 = arith.extui %gt3A_291 : i1 to i32
        %cond3A_293 = arith.constant 0 : i32
        %cond3A_294 = arith.cmpi ne, %convert_element_type3A_292, %cond3A_293 : i32
        scf.if %cond3A_294 {
          %dma_wait3A_300 = arith.constant 0 : i32
          %dma_wait3A_301 = arith.constant 0 : i32
          %dma_wait3A_302 = tpu.memref_slice %arg5[%dma_wait3A_300, %dma_wait3A_301] : memref<100000x128xf32, #tpu.memory_space<hbm>> -> memref<64x128xf32, #tpu.memory_space<hbm>>
          %dma_wait3A_303 = arith.constant 0 : i32
          %dma_wait3A_304 = arith.constant 0 : i32
          %dma_wait3A_305 = tpu.memref_slice %arg5[%dma_wait3A_303, %dma_wait3A_304] : memref<100000x128xf32, #tpu.memory_space<hbm>> -> memref<64x128xf32, #tpu.memory_space<hbm>>
          tpu.wait_dma2 semaphore(%arg30 : memref<!tpu.dma_semaphore, #tpu.memory_space<semaphore_mem>>) src(%arg18 : memref<64x128xf32, #tpu.memory_space<vmem>>) dst(%dma_wait3A_305 : memref<64x128xf32, #tpu.memory_space<hbm>>)
        } else {
        }
        %mul3A_295 = arith.constant 64 : i32
        %mul3A_296 = arith.muli %add3A_209, %mul3A_295 : i32
        %dma_start3A = tpu.memref_slice %arg9[%mul3A_296] : memref<3200xi32, #tpu.memory_space<vmem>> -> memref<64xi32, #tpu.memory_space<vmem>>
        %dma_start3A_297 = arith.constant 0 : i32
        %dma_start3A_298 = arith.constant 0 : i32
        %dma_start3A_299 = tpu.memref_slice %arg6[%dma_start3A_297, %dma_start3A_298] : memref<300x128xf32, #tpu.memory_space<vmem_shared>> -> memref<300x128xf32, #tpu.memory_space<vmem_shared>>
        tpu.enqueue_indirect_dma source(%dma_start3A_299 : memref<300x128xf32, #tpu.memory_space<vmem_shared>>) target(%arg18 : memref<64x128xf32, #tpu.memory_space<vmem>>) offsets(%dma_start3A : memref<64xi32, #tpu.memory_space<vmem>>) semaphore(%arg42 : memref<!tpu.dma_semaphore, #tpu.memory_space<semaphore_mem>>)
      } else {
      }
      %ge3A_215 = arith.constant 2 : i32
      %ge3A_216 = arith.cmpi sge, %add3A_209, %ge3A_215 : i32
      %le3A_217 = arith.constant 51 : i32
      %le3A_218 = arith.cmpi sle, %add3A_209, %le3A_217 : i32
      %and3A_219 = arith.andi %ge3A_216, %le3A_218 : i1
      %convert_element_type3A_220 = arith.extui %and3A_219 : i1 to i32
      %cond3A_221 = arith.constant 0 : i32
      %cond3A_222 = arith.cmpi ne, %convert_element_type3A_220, %cond3A_221 : i32
      scf.if %cond3A_222 {
        %sub3A = arith.constant 2 : i32
        %sub3A_291 = arith.subi %add3A_209, %sub3A : i32
        %mul3A_292 = arith.constant 64 : i32
        %mul3A_293 = arith.muli %sub3A_291, %mul3A_292 : i32
        %dma_wait3A_294 = tpu.memref_slice %arg9[%mul3A_293] : memref<3200xi32, #tpu.memory_space<vmem>> -> memref<64xi32, #tpu.memory_space<vmem>>
        %dma_wait3A_295 = arith.constant 0 : i32
        %dma_wait3A_296 = arith.constant 0 : i32
        %dma_wait3A_297 = tpu.memref_slice %arg6[%dma_wait3A_295, %dma_wait3A_296] : memref<300x128xf32, #tpu.memory_space<vmem_shared>> -> memref<300x128xf32, #tpu.memory_space<vmem_shared>>
        tpu.wait_indirect_dma semaphore(%arg40 : memref<!tpu.dma_semaphore, #tpu.memory_space<semaphore_mem>>) src(%dma_wait3A_297 : memref<300x128xf32, #tpu.memory_space<vmem_shared>>) dst(%arg16 : memref<64x128xf32, #tpu.memory_space<vmem>>)
        %sub3A_298 = arith.constant 2 : i32
        %sub3A_299 = arith.subi %add3A_209, %sub3A_298 : i32
        %mul3A_300 = arith.constant 64 : i32
        %mul3A_301 = arith.muli %sub3A_299, %mul3A_300 : i32
        %add3A_302 = arith.addi %min3A_5, %mul3A_301 : i32
        %dma_start3A = arith.constant 0 : i32
        %dma_start3A_303 = tpu.memref_slice %arg5[%add3A_302, %dma_start3A] : memref<100000x128xf32, #tpu.memory_space<hbm>> -> memref<64x128xf32, #tpu.memory_space<hbm>>
        %dma_start3A_304 = arith.constant 0 : i32
        %dma_start3A_305 = tpu.memref_slice %arg5[%add3A_302, %dma_start3A_304] : memref<100000x128xf32, #tpu.memory_space<hbm>> -> memref<64x128xf32, #tpu.memory_space<hbm>>
        tpu.enqueue_dma source(%arg16 : memref<64x128xf32, #tpu.memory_space<vmem>>) target(%dma_start3A_305 : memref<64x128xf32, #tpu.memory_space<hbm>>) target_semaphore(%arg28 : memref<!tpu.dma_semaphore, #tpu.memory_space<semaphore_mem>>)
      } else {
      }
      %mul3A_223 = arith.constant 12 : i32
      %mul3A_224 = arith.muli %add3A_90, %mul3A_223 : i32
      %add3A_225 = arith.constant 8 : i32
      %add3A_226 = arith.addi %mul3A_224, %add3A_225 : i32
      %lt3A_227 = arith.constant 50 : i32
      %lt3A_228 = arith.cmpi slt, %add3A_226, %lt3A_227 : i32
      %convert_element_type3A_229 = arith.extui %lt3A_228 : i1 to i32
      %cond3A_230 = arith.constant 0 : i32
      %cond3A_231 = arith.cmpi ne, %convert_element_type3A_229, %cond3A_230 : i32
      scf.if %cond3A_231 {
        %gt3A = arith.constant 0 : i32
        %gt3A_291 = arith.cmpi sgt, %add3A_90, %gt3A : i32
        %convert_element_type3A_292 = arith.extui %gt3A_291 : i1 to i32
        %cond3A_293 = arith.constant 0 : i32
        %cond3A_294 = arith.cmpi ne, %convert_element_type3A_292, %cond3A_293 : i32
        scf.if %cond3A_294 {
          %dma_wait3A_300 = arith.constant 0 : i32
          %dma_wait3A_301 = arith.constant 0 : i32
          %dma_wait3A_302 = tpu.memref_slice %arg5[%dma_wait3A_300, %dma_wait3A_301] : memref<100000x128xf32, #tpu.memory_space<hbm>> -> memref<64x128xf32, #tpu.memory_space<hbm>>
          %dma_wait3A_303 = arith.constant 0 : i32
          %dma_wait3A_304 = arith.constant 0 : i32
          %dma_wait3A_305 = tpu.memref_slice %arg5[%dma_wait3A_303, %dma_wait3A_304] : memref<100000x128xf32, #tpu.memory_space<hbm>> -> memref<64x128xf32, #tpu.memory_space<hbm>>
          tpu.wait_dma2 semaphore(%arg31 : memref<!tpu.dma_semaphore, #tpu.memory_space<semaphore_mem>>) src(%arg19 : memref<64x128xf32, #tpu.memory_space<vmem>>) dst(%dma_wait3A_305 : memref<64x128xf32, #tpu.memory_space<hbm>>)
        } else {
        }
        %mul3A_295 = arith.constant 64 : i32
        %mul3A_296 = arith.muli %add3A_226, %mul3A_295 : i32
        %dma_start3A = tpu.memref_slice %arg9[%mul3A_296] : memref<3200xi32, #tpu.memory_space<vmem>> -> memref<64xi32, #tpu.memory_space<vmem>>
        %dma_start3A_297 = arith.constant 0 : i32
        %dma_start3A_298 = arith.constant 0 : i32
        %dma_start3A_299 = tpu.memref_slice %arg6[%dma_start3A_297, %dma_start3A_298] : memref<300x128xf32, #tpu.memory_space<vmem_shared>> -> memref<300x128xf32, #tpu.memory_space<vmem_shared>>
        tpu.enqueue_indirect_dma source(%dma_start3A_299 : memref<300x128xf32, #tpu.memory_space<vmem_shared>>) target(%arg19 : memref<64x128xf32, #tpu.memory_space<vmem>>) offsets(%dma_start3A : memref<64xi32, #tpu.memory_space<vmem>>) semaphore(%arg43 : memref<!tpu.dma_semaphore, #tpu.memory_space<semaphore_mem>>)
      } else {
      }
      %ge3A_232 = arith.constant 2 : i32
      %ge3A_233 = arith.cmpi sge, %add3A_226, %ge3A_232 : i32
      %le3A_234 = arith.constant 51 : i32
      %le3A_235 = arith.cmpi sle, %add3A_226, %le3A_234 : i32
      %and3A_236 = arith.andi %ge3A_233, %le3A_235 : i1
      %convert_element_type3A_237 = arith.extui %and3A_236 : i1 to i32
      %cond3A_238 = arith.constant 0 : i32
      %cond3A_239 = arith.cmpi ne, %convert_element_type3A_237, %cond3A_238 : i32
      scf.if %cond3A_239 {
        %sub3A = arith.constant 2 : i32
        %sub3A_291 = arith.subi %add3A_226, %sub3A : i32
        %mul3A_292 = arith.constant 64 : i32
        %mul3A_293 = arith.muli %sub3A_291, %mul3A_292 : i32
        %dma_wait3A_294 = tpu.memref_slice %arg9[%mul3A_293] : memref<3200xi32, #tpu.memory_space<vmem>> -> memref<64xi32, #tpu.memory_space<vmem>>
        %dma_wait3A_295 = arith.constant 0 : i32
        %dma_wait3A_296 = arith.constant 0 : i32
        %dma_wait3A_297 = tpu.memref_slice %arg6[%dma_wait3A_295, %dma_wait3A_296] : memref<300x128xf32, #tpu.memory_space<vmem_shared>> -> memref<300x128xf32, #tpu.memory_space<vmem_shared>>
        tpu.wait_indirect_dma semaphore(%arg41 : memref<!tpu.dma_semaphore, #tpu.memory_space<semaphore_mem>>) src(%dma_wait3A_297 : memref<300x128xf32, #tpu.memory_space<vmem_shared>>) dst(%arg17 : memref<64x128xf32, #tpu.memory_space<vmem>>)
        %sub3A_298 = arith.constant 2 : i32
        %sub3A_299 = arith.subi %add3A_226, %sub3A_298 : i32
        %mul3A_300 = arith.constant 64 : i32
        %mul3A_301 = arith.muli %sub3A_299, %mul3A_300 : i32
        %add3A_302 = arith.addi %min3A_5, %mul3A_301 : i32
        %dma_start3A = arith.constant 0 : i32
        %dma_start3A_303 = tpu.memref_slice %arg5[%add3A_302, %dma_start3A] : memref<100000x128xf32, #tpu.memory_space<hbm>> -> memref<64x128xf32, #tpu.memory_space<hbm>>
        %dma_start3A_304 = arith.constant 0 : i32
        %dma_start3A_305 = tpu.memref_slice %arg5[%add3A_302, %dma_start3A_304] : memref<100000x128xf32, #tpu.memory_space<hbm>> -> memref<64x128xf32, #tpu.memory_space<hbm>>
        tpu.enqueue_dma source(%arg17 : memref<64x128xf32, #tpu.memory_space<vmem>>) target(%dma_start3A_305 : memref<64x128xf32, #tpu.memory_space<hbm>>) target_semaphore(%arg29 : memref<!tpu.dma_semaphore, #tpu.memory_space<semaphore_mem>>)
      } else {
      }
      %mul3A_240 = arith.constant 12 : i32
      %mul3A_241 = arith.muli %add3A_90, %mul3A_240 : i32
      %add3A_242 = arith.constant 9 : i32
      %add3A_243 = arith.addi %mul3A_241, %add3A_242 : i32
      %lt3A_244 = arith.constant 50 : i32
      %lt3A_245 = arith.cmpi slt, %add3A_243, %lt3A_244 : i32
      %convert_element_type3A_246 = arith.extui %lt3A_245 : i1 to i32
      %cond3A_247 = arith.constant 0 : i32
      %cond3A_248 = arith.cmpi ne, %convert_element_type3A_246, %cond3A_247 : i32
      scf.if %cond3A_248 {
        %gt3A = arith.constant 0 : i32
        %gt3A_291 = arith.cmpi sgt, %add3A_90, %gt3A : i32
        %convert_element_type3A_292 = arith.extui %gt3A_291 : i1 to i32
        %cond3A_293 = arith.constant 0 : i32
        %cond3A_294 = arith.cmpi ne, %convert_element_type3A_292, %cond3A_293 : i32
        scf.if %cond3A_294 {
          %dma_wait3A_300 = arith.constant 0 : i32
          %dma_wait3A_301 = arith.constant 0 : i32
          %dma_wait3A_302 = tpu.memref_slice %arg5[%dma_wait3A_300, %dma_wait3A_301] : memref<100000x128xf32, #tpu.memory_space<hbm>> -> memref<64x128xf32, #tpu.memory_space<hbm>>
          %dma_wait3A_303 = arith.constant 0 : i32
          %dma_wait3A_304 = arith.constant 0 : i32
          %dma_wait3A_305 = tpu.memref_slice %arg5[%dma_wait3A_303, %dma_wait3A_304] : memref<100000x128xf32, #tpu.memory_space<hbm>> -> memref<64x128xf32, #tpu.memory_space<hbm>>
          tpu.wait_dma2 semaphore(%arg32 : memref<!tpu.dma_semaphore, #tpu.memory_space<semaphore_mem>>) src(%arg20 : memref<64x128xf32, #tpu.memory_space<vmem>>) dst(%dma_wait3A_305 : memref<64x128xf32, #tpu.memory_space<hbm>>)
        } else {
        }
        %mul3A_295 = arith.constant 64 : i32
        %mul3A_296 = arith.muli %add3A_243, %mul3A_295 : i32
        %dma_start3A = tpu.memref_slice %arg9[%mul3A_296] : memref<3200xi32, #tpu.memory_space<vmem>> -> memref<64xi32, #tpu.memory_space<vmem>>
        %dma_start3A_297 = arith.constant 0 : i32
        %dma_start3A_298 = arith.constant 0 : i32
        %dma_start3A_299 = tpu.memref_slice %arg6[%dma_start3A_297, %dma_start3A_298] : memref<300x128xf32, #tpu.memory_space<vmem_shared>> -> memref<300x128xf32, #tpu.memory_space<vmem_shared>>
        tpu.enqueue_indirect_dma source(%dma_start3A_299 : memref<300x128xf32, #tpu.memory_space<vmem_shared>>) target(%arg20 : memref<64x128xf32, #tpu.memory_space<vmem>>) offsets(%dma_start3A : memref<64xi32, #tpu.memory_space<vmem>>) semaphore(%arg44 : memref<!tpu.dma_semaphore, #tpu.memory_space<semaphore_mem>>)
      } else {
      }
      %ge3A_249 = arith.constant 2 : i32
      %ge3A_250 = arith.cmpi sge, %add3A_243, %ge3A_249 : i32
      %le3A_251 = arith.constant 51 : i32
      %le3A_252 = arith.cmpi sle, %add3A_243, %le3A_251 : i32
      %and3A_253 = arith.andi %ge3A_250, %le3A_252 : i1
      %convert_element_type3A_254 = arith.extui %and3A_253 : i1 to i32
      %cond3A_255 = arith.constant 0 : i32
      %cond3A_256 = arith.cmpi ne, %convert_element_type3A_254, %cond3A_255 : i32
      scf.if %cond3A_256 {
        %sub3A = arith.constant 2 : i32
        %sub3A_291 = arith.subi %add3A_243, %sub3A : i32
        %mul3A_292 = arith.constant 64 : i32
        %mul3A_293 = arith.muli %sub3A_291, %mul3A_292 : i32
        %dma_wait3A_294 = tpu.memref_slice %arg9[%mul3A_293] : memref<3200xi32, #tpu.memory_space<vmem>> -> memref<64xi32, #tpu.memory_space<vmem>>
        %dma_wait3A_295 = arith.constant 0 : i32
        %dma_wait3A_296 = arith.constant 0 : i32
        %dma_wait3A_297 = tpu.memref_slice %arg6[%dma_wait3A_295, %dma_wait3A_296] : memref<300x128xf32, #tpu.memory_space<vmem_shared>> -> memref<300x128xf32, #tpu.memory_space<vmem_shared>>
        tpu.wait_indirect_dma semaphore(%arg42 : memref<!tpu.dma_semaphore, #tpu.memory_space<semaphore_mem>>) src(%dma_wait3A_297 : memref<300x128xf32, #tpu.memory_space<vmem_shared>>) dst(%arg18 : memref<64x128xf32, #tpu.memory_space<vmem>>)
        %sub3A_298 = arith.constant 2 : i32
        %sub3A_299 = arith.subi %add3A_243, %sub3A_298 : i32
        %mul3A_300 = arith.constant 64 : i32
        %mul3A_301 = arith.muli %sub3A_299, %mul3A_300 : i32
        %add3A_302 = arith.addi %min3A_5, %mul3A_301 : i32
        %dma_start3A = arith.constant 0 : i32
        %dma_start3A_303 = tpu.memref_slice %arg5[%add3A_302, %dma_start3A] : memref<100000x128xf32, #tpu.memory_space<hbm>> -> memref<64x128xf32, #tpu.memory_space<hbm>>
        %dma_start3A_304 = arith.constant 0 : i32
        %dma_start3A_305 = tpu.memref_slice %arg5[%add3A_302, %dma_start3A_304] : memref<100000x128xf32, #tpu.memory_space<hbm>> -> memref<64x128xf32, #tpu.memory_space<hbm>>
        tpu.enqueue_dma source(%arg18 : memref<64x128xf32, #tpu.memory_space<vmem>>) target(%dma_start3A_305 : memref<64x128xf32, #tpu.memory_space<hbm>>) target_semaphore(%arg30 : memref<!tpu.dma_semaphore, #tpu.memory_space<semaphore_mem>>)
      } else {
      }
      %mul3A_257 = arith.constant 12 : i32
      %mul3A_258 = arith.muli %add3A_90, %mul3A_257 : i32
      %add3A_259 = arith.constant 10 : i32
      %add3A_260 = arith.addi %mul3A_258, %add3A_259 : i32
      %lt3A_261 = arith.constant 50 : i32
      %lt3A_262 = arith.cmpi slt, %add3A_260, %lt3A_261 : i32
      %convert_element_type3A_263 = arith.extui %lt3A_262 : i1 to i32
      %cond3A_264 = arith.constant 0 : i32
      %cond3A_265 = arith.cmpi ne, %convert_element_type3A_263, %cond3A_264 : i32
      scf.if %cond3A_265 {
        %gt3A = arith.constant 0 : i32
        %gt3A_291 = arith.cmpi sgt, %add3A_90, %gt3A : i32
        %convert_element_type3A_292 = arith.extui %gt3A_291 : i1 to i32
        %cond3A_293 = arith.constant 0 : i32
        %cond3A_294 = arith.cmpi ne, %convert_element_type3A_292, %cond3A_293 : i32
        scf.if %cond3A_294 {
          %dma_wait3A_300 = arith.constant 0 : i32
          %dma_wait3A_301 = arith.constant 0 : i32
          %dma_wait3A_302 = tpu.memref_slice %arg5[%dma_wait3A_300, %dma_wait3A_301] : memref<100000x128xf32, #tpu.memory_space<hbm>> -> memref<64x128xf32, #tpu.memory_space<hbm>>
          %dma_wait3A_303 = arith.constant 0 : i32
          %dma_wait3A_304 = arith.constant 0 : i32
          %dma_wait3A_305 = tpu.memref_slice %arg5[%dma_wait3A_303, %dma_wait3A_304] : memref<100000x128xf32, #tpu.memory_space<hbm>> -> memref<64x128xf32, #tpu.memory_space<hbm>>
          tpu.wait_dma2 semaphore(%arg33 : memref<!tpu.dma_semaphore, #tpu.memory_space<semaphore_mem>>) src(%arg21 : memref<64x128xf32, #tpu.memory_space<vmem>>) dst(%dma_wait3A_305 : memref<64x128xf32, #tpu.memory_space<hbm>>)
        } else {
        }
        %mul3A_295 = arith.constant 64 : i32
        %mul3A_296 = arith.muli %add3A_260, %mul3A_295 : i32
        %dma_start3A = tpu.memref_slice %arg9[%mul3A_296] : memref<3200xi32, #tpu.memory_space<vmem>> -> memref<64xi32, #tpu.memory_space<vmem>>
        %dma_start3A_297 = arith.constant 0 : i32
        %dma_start3A_298 = arith.constant 0 : i32
        %dma_start3A_299 = tpu.memref_slice %arg6[%dma_start3A_297, %dma_start3A_298] : memref<300x128xf32, #tpu.memory_space<vmem_shared>> -> memref<300x128xf32, #tpu.memory_space<vmem_shared>>
        tpu.enqueue_indirect_dma source(%dma_start3A_299 : memref<300x128xf32, #tpu.memory_space<vmem_shared>>) target(%arg21 : memref<64x128xf32, #tpu.memory_space<vmem>>) offsets(%dma_start3A : memref<64xi32, #tpu.memory_space<vmem>>) semaphore(%arg45 : memref<!tpu.dma_semaphore, #tpu.memory_space<semaphore_mem>>)
      } else {
      }
      %ge3A_266 = arith.constant 2 : i32
      %ge3A_267 = arith.cmpi sge, %add3A_260, %ge3A_266 : i32
      %le3A_268 = arith.constant 51 : i32
      %le3A_269 = arith.cmpi sle, %add3A_260, %le3A_268 : i32
      %and3A_270 = arith.andi %ge3A_267, %le3A_269 : i1
      %convert_element_type3A_271 = arith.extui %and3A_270 : i1 to i32
      %cond3A_272 = arith.constant 0 : i32
      %cond3A_273 = arith.cmpi ne, %convert_element_type3A_271, %cond3A_272 : i32
      scf.if %cond3A_273 {
        %sub3A = arith.constant 2 : i32
        %sub3A_291 = arith.subi %add3A_260, %sub3A : i32
        %mul3A_292 = arith.constant 64 : i32
        %mul3A_293 = arith.muli %sub3A_291, %mul3A_292 : i32
        %dma_wait3A_294 = tpu.memref_slice %arg9[%mul3A_293] : memref<3200xi32, #tpu.memory_space<vmem>> -> memref<64xi32, #tpu.memory_space<vmem>>
        %dma_wait3A_295 = arith.constant 0 : i32
        %dma_wait3A_296 = arith.constant 0 : i32
        %dma_wait3A_297 = tpu.memref_slice %arg6[%dma_wait3A_295, %dma_wait3A_296] : memref<300x128xf32, #tpu.memory_space<vmem_shared>> -> memref<300x128xf32, #tpu.memory_space<vmem_shared>>
        tpu.wait_indirect_dma semaphore(%arg43 : memref<!tpu.dma_semaphore, #tpu.memory_space<semaphore_mem>>) src(%dma_wait3A_297 : memref<300x128xf32, #tpu.memory_space<vmem_shared>>) dst(%arg19 : memref<64x128xf32, #tpu.memory_space<vmem>>)
        %sub3A_298 = arith.constant 2 : i32
        %sub3A_299 = arith.subi %add3A_260, %sub3A_298 : i32
        %mul3A_300 = arith.constant 64 : i32
        %mul3A_301 = arith.muli %sub3A_299, %mul3A_300 : i32
        %add3A_302 = arith.addi %min3A_5, %mul3A_301 : i32
        %dma_start3A = arith.constant 0 : i32
        %dma_start3A_303 = tpu.memref_slice %arg5[%add3A_302, %dma_start3A] : memref<100000x128xf32, #tpu.memory_space<hbm>> -> memref<64x128xf32, #tpu.memory_space<hbm>>
        %dma_start3A_304 = arith.constant 0 : i32
        %dma_start3A_305 = tpu.memref_slice %arg5[%add3A_302, %dma_start3A_304] : memref<100000x128xf32, #tpu.memory_space<hbm>> -> memref<64x128xf32, #tpu.memory_space<hbm>>
        tpu.enqueue_dma source(%arg19 : memref<64x128xf32, #tpu.memory_space<vmem>>) target(%dma_start3A_305 : memref<64x128xf32, #tpu.memory_space<hbm>>) target_semaphore(%arg31 : memref<!tpu.dma_semaphore, #tpu.memory_space<semaphore_mem>>)
      } else {
      }
      %mul3A_274 = arith.constant 12 : i32
      %mul3A_275 = arith.muli %add3A_90, %mul3A_274 : i32
      %add3A_276 = arith.constant 11 : i32
      %add3A_277 = arith.addi %mul3A_275, %add3A_276 : i32
      %lt3A_278 = arith.constant 50 : i32
      %lt3A_279 = arith.cmpi slt, %add3A_277, %lt3A_278 : i32
      %convert_element_type3A_280 = arith.extui %lt3A_279 : i1 to i32
      %cond3A_281 = arith.constant 0 : i32
      %cond3A_282 = arith.cmpi ne, %convert_element_type3A_280, %cond3A_281 : i32
      scf.if %cond3A_282 {
        %gt3A = arith.constant 0 : i32
        %gt3A_291 = arith.cmpi sgt, %add3A_90, %gt3A : i32
        %convert_element_type3A_292 = arith.extui %gt3A_291 : i1 to i32
        %cond3A_293 = arith.constant 0 : i32
        %cond3A_294 = arith.cmpi ne, %convert_element_type3A_292, %cond3A_293 : i32
        scf.if %cond3A_294 {
          %dma_wait3A_300 = arith.constant 0 : i32
          %dma_wait3A_301 = arith.constant 0 : i32
          %dma_wait3A_302 = tpu.memref_slice %arg5[%dma_wait3A_300, %dma_wait3A_301] : memref<100000x128xf32, #tpu.memory_space<hbm>> -> memref<64x128xf32, #tpu.memory_space<hbm>>
          %dma_wait3A_303 = arith.constant 0 : i32
          %dma_wait3A_304 = arith.constant 0 : i32
          %dma_wait3A_305 = tpu.memref_slice %arg5[%dma_wait3A_303, %dma_wait3A_304] : memref<100000x128xf32, #tpu.memory_space<hbm>> -> memref<64x128xf32, #tpu.memory_space<hbm>>
          tpu.wait_dma2 semaphore(%arg34 : memref<!tpu.dma_semaphore, #tpu.memory_space<semaphore_mem>>) src(%arg22 : memref<64x128xf32, #tpu.memory_space<vmem>>) dst(%dma_wait3A_305 : memref<64x128xf32, #tpu.memory_space<hbm>>)
        } else {
        }
        %mul3A_295 = arith.constant 64 : i32
        %mul3A_296 = arith.muli %add3A_277, %mul3A_295 : i32
        %dma_start3A = tpu.memref_slice %arg9[%mul3A_296] : memref<3200xi32, #tpu.memory_space<vmem>> -> memref<64xi32, #tpu.memory_space<vmem>>
        %dma_start3A_297 = arith.constant 0 : i32
        %dma_start3A_298 = arith.constant 0 : i32
        %dma_start3A_299 = tpu.memref_slice %arg6[%dma_start3A_297, %dma_start3A_298] : memref<300x128xf32, #tpu.memory_space<vmem_shared>> -> memref<300x128xf32, #tpu.memory_space<vmem_shared>>
        tpu.enqueue_indirect_dma source(%dma_start3A_299 : memref<300x128xf32, #tpu.memory_space<vmem_shared>>) target(%arg22 : memref<64x128xf32, #tpu.memory_space<vmem>>) offsets(%dma_start3A : memref<64xi32, #tpu.memory_space<vmem>>) semaphore(%arg46 : memref<!tpu.dma_semaphore, #tpu.memory_space<semaphore_mem>>)
      } else {
      }
      %ge3A_283 = arith.constant 2 : i32
      %ge3A_284 = arith.cmpi sge, %add3A_277, %ge3A_283 : i32
      %le3A_285 = arith.constant 51 : i32
      %le3A_286 = arith.cmpi sle, %add3A_277, %le3A_285 : i32
      %and3A_287 = arith.andi %ge3A_284, %le3A_286 : i1
      %convert_element_type3A_288 = arith.extui %and3A_287 : i1 to i32
      %cond3A_289 = arith.constant 0 : i32
      %cond3A_290 = arith.cmpi ne, %convert_element_type3A_288, %cond3A_289 : i32
      scf.if %cond3A_290 {
        %sub3A = arith.constant 2 : i32
        %sub3A_291 = arith.subi %add3A_277, %sub3A : i32
        %mul3A_292 = arith.constant 64 : i32
        %mul3A_293 = arith.muli %sub3A_291, %mul3A_292 : i32
        %dma_wait3A_294 = tpu.memref_slice %arg9[%mul3A_293] : memref<3200xi32, #tpu.memory_space<vmem>> -> memref<64xi32, #tpu.memory_space<vmem>>
        %dma_wait3A_295 = arith.constant 0 : i32
        %dma_wait3A_296 = arith.constant 0 : i32
        %dma_wait3A_297 = tpu.memref_slice %arg6[%dma_wait3A_295, %dma_wait3A_296] : memref<300x128xf32, #tpu.memory_space<vmem_shared>> -> memref<300x128xf32, #tpu.memory_space<vmem_shared>>
        tpu.wait_indirect_dma semaphore(%arg44 : memref<!tpu.dma_semaphore, #tpu.memory_space<semaphore_mem>>) src(%dma_wait3A_297 : memref<300x128xf32, #tpu.memory_space<vmem_shared>>) dst(%arg20 : memref<64x128xf32, #tpu.memory_space<vmem>>)
        %sub3A_298 = arith.constant 2 : i32
        %sub3A_299 = arith.subi %add3A_277, %sub3A_298 : i32
        %mul3A_300 = arith.constant 64 : i32
        %mul3A_301 = arith.muli %sub3A_299, %mul3A_300 : i32
        %add3A_302 = arith.addi %min3A_5, %mul3A_301 : i32
        %dma_start3A = arith.constant 0 : i32
        %dma_start3A_303 = tpu.memref_slice %arg5[%add3A_302, %dma_start3A] : memref<100000x128xf32, #tpu.memory_space<hbm>> -> memref<64x128xf32, #tpu.memory_space<hbm>>
        %dma_start3A_304 = arith.constant 0 : i32
        %dma_start3A_305 = tpu.memref_slice %arg5[%add3A_302, %dma_start3A_304] : memref<100000x128xf32, #tpu.memory_space<hbm>> -> memref<64x128xf32, #tpu.memory_space<hbm>>
        tpu.enqueue_dma source(%arg20 : memref<64x128xf32, #tpu.memory_space<vmem>>) target(%dma_start3A_305 : memref<64x128xf32, #tpu.memory_space<hbm>>) target_semaphore(%arg32 : memref<!tpu.dma_semaphore, #tpu.memory_space<semaphore_mem>>)
      } else {
      }
    }
    %scan3A_14 = arith.constant 5 : i32
    %dma_wait3A = arith.constant 0 : i32
    %dma_wait3A_15 = arith.constant 0 : i32
    %dma_wait3A_16 = tpu.memref_slice %arg5[%dma_wait3A, %dma_wait3A_15] : memref<100000x128xf32, #tpu.memory_space<hbm>> -> memref<64x128xf32, #tpu.memory_space<hbm>>
    %dma_wait3A_17 = arith.constant 0 : i32
    %dma_wait3A_18 = arith.constant 0 : i32
    %dma_wait3A_19 = tpu.memref_slice %arg5[%dma_wait3A_17, %dma_wait3A_18] : memref<100000x128xf32, #tpu.memory_space<hbm>> -> memref<64x128xf32, #tpu.memory_space<hbm>>
    tpu.wait_dma2 semaphore(%arg23 : memref<!tpu.dma_semaphore, #tpu.memory_space<semaphore_mem>>) src(%arg11 : memref<64x128xf32, #tpu.memory_space<vmem>>) dst(%dma_wait3A_19 : memref<64x128xf32, #tpu.memory_space<hbm>>)
    %dma_wait3A_20 = arith.constant 0 : i32
    %dma_wait3A_21 = arith.constant 0 : i32
    %dma_wait3A_22 = tpu.memref_slice %arg5[%dma_wait3A_20, %dma_wait3A_21] : memref<100000x128xf32, #tpu.memory_space<hbm>> -> memref<64x128xf32, #tpu.memory_space<hbm>>
    %dma_wait3A_23 = arith.constant 0 : i32
    %dma_wait3A_24 = arith.constant 0 : i32
    %dma_wait3A_25 = tpu.memref_slice %arg5[%dma_wait3A_23, %dma_wait3A_24] : memref<100000x128xf32, #tpu.memory_space<hbm>> -> memref<64x128xf32, #tpu.memory_space<hbm>>
    tpu.wait_dma2 semaphore(%arg24 : memref<!tpu.dma_semaphore, #tpu.memory_space<semaphore_mem>>) src(%arg12 : memref<64x128xf32, #tpu.memory_space<vmem>>) dst(%dma_wait3A_25 : memref<64x128xf32, #tpu.memory_space<hbm>>)
    %dma_wait3A_26 = arith.constant 0 : i32
    %dma_wait3A_27 = arith.constant 0 : i32
    %dma_wait3A_28 = tpu.memref_slice %arg5[%dma_wait3A_26, %dma_wait3A_27] : memref<100000x128xf32, #tpu.memory_space<hbm>> -> memref<64x128xf32, #tpu.memory_space<hbm>>
    %dma_wait3A_29 = arith.constant 0 : i32
    %dma_wait3A_30 = arith.constant 0 : i32
    %dma_wait3A_31 = tpu.memref_slice %arg5[%dma_wait3A_29, %dma_wait3A_30] : memref<100000x128xf32, #tpu.memory_space<hbm>> -> memref<64x128xf32, #tpu.memory_space<hbm>>
    tpu.wait_dma2 semaphore(%arg25 : memref<!tpu.dma_semaphore, #tpu.memory_space<semaphore_mem>>) src(%arg13 : memref<64x128xf32, #tpu.memory_space<vmem>>) dst(%dma_wait3A_31 : memref<64x128xf32, #tpu.memory_space<hbm>>)
    %dma_wait3A_32 = arith.constant 0 : i32
    %dma_wait3A_33 = arith.constant 0 : i32
    %dma_wait3A_34 = tpu.memref_slice %arg5[%dma_wait3A_32, %dma_wait3A_33] : memref<100000x128xf32, #tpu.memory_space<hbm>> -> memref<64x128xf32, #tpu.memory_space<hbm>>
    %dma_wait3A_35 = arith.constant 0 : i32
    %dma_wait3A_36 = arith.constant 0 : i32
    %dma_wait3A_37 = tpu.memref_slice %arg5[%dma_wait3A_35, %dma_wait3A_36] : memref<100000x128xf32, #tpu.memory_space<hbm>> -> memref<64x128xf32, #tpu.memory_space<hbm>>
    tpu.wait_dma2 semaphore(%arg26 : memref<!tpu.dma_semaphore, #tpu.memory_space<semaphore_mem>>) src(%arg14 : memref<64x128xf32, #tpu.memory_space<vmem>>) dst(%dma_wait3A_37 : memref<64x128xf32, #tpu.memory_space<hbm>>)
    %dma_wait3A_38 = arith.constant 0 : i32
    %dma_wait3A_39 = arith.constant 0 : i32
    %dma_wait3A_40 = tpu.memref_slice %arg5[%dma_wait3A_38, %dma_wait3A_39] : memref<100000x128xf32, #tpu.memory_space<hbm>> -> memref<64x128xf32, #tpu.memory_space<hbm>>
    %dma_wait3A_41 = arith.constant 0 : i32
    %dma_wait3A_42 = arith.constant 0 : i32
    %dma_wait3A_43 = tpu.memref_slice %arg5[%dma_wait3A_41, %dma_wait3A_42] : memref<100000x128xf32, #tpu.memory_space<hbm>> -> memref<64x128xf32, #tpu.memory_space<hbm>>
    tpu.wait_dma2 semaphore(%arg27 : memref<!tpu.dma_semaphore, #tpu.memory_space<semaphore_mem>>) src(%arg15 : memref<64x128xf32, #tpu.memory_space<vmem>>) dst(%dma_wait3A_43 : memref<64x128xf32, #tpu.memory_space<hbm>>)
    %dma_wait3A_44 = arith.constant 0 : i32
    %dma_wait3A_45 = arith.constant 0 : i32
    %dma_wait3A_46 = tpu.memref_slice %arg5[%dma_wait3A_44, %dma_wait3A_45] : memref<100000x128xf32, #tpu.memory_space<hbm>> -> memref<64x128xf32, #tpu.memory_space<hbm>>
    %dma_wait3A_47 = arith.constant 0 : i32
    %dma_wait3A_48 = arith.constant 0 : i32
    %dma_wait3A_49 = tpu.memref_slice %arg5[%dma_wait3A_47, %dma_wait3A_48] : memref<100000x128xf32, #tpu.memory_space<hbm>> -> memref<64x128xf32, #tpu.memory_space<hbm>>
    tpu.wait_dma2 semaphore(%arg28 : memref<!tpu.dma_semaphore, #tpu.memory_space<semaphore_mem>>) src(%arg16 : memref<64x128xf32, #tpu.memory_space<vmem>>) dst(%dma_wait3A_49 : memref<64x128xf32, #tpu.memory_space<hbm>>)
    %dma_wait3A_50 = arith.constant 0 : i32
    %dma_wait3A_51 = arith.constant 0 : i32
    %dma_wait3A_52 = tpu.memref_slice %arg5[%dma_wait3A_50, %dma_wait3A_51] : memref<100000x128xf32, #tpu.memory_space<hbm>> -> memref<64x128xf32, #tpu.memory_space<hbm>>
    %dma_wait3A_53 = arith.constant 0 : i32
    %dma_wait3A_54 = arith.constant 0 : i32
    %dma_wait3A_55 = tpu.memref_slice %arg5[%dma_wait3A_53, %dma_wait3A_54] : memref<100000x128xf32, #tpu.memory_space<hbm>> -> memref<64x128xf32, #tpu.memory_space<hbm>>
    tpu.wait_dma2 semaphore(%arg29 : memref<!tpu.dma_semaphore, #tpu.memory_space<semaphore_mem>>) src(%arg17 : memref<64x128xf32, #tpu.memory_space<vmem>>) dst(%dma_wait3A_55 : memref<64x128xf32, #tpu.memory_space<hbm>>)
    %dma_wait3A_56 = arith.constant 0 : i32
    %dma_wait3A_57 = arith.constant 0 : i32
    %dma_wait3A_58 = tpu.memref_slice %arg5[%dma_wait3A_56, %dma_wait3A_57] : memref<100000x128xf32, #tpu.memory_space<hbm>> -> memref<64x128xf32, #tpu.memory_space<hbm>>
    %dma_wait3A_59 = arith.constant 0 : i32
    %dma_wait3A_60 = arith.constant 0 : i32
    %dma_wait3A_61 = tpu.memref_slice %arg5[%dma_wait3A_59, %dma_wait3A_60] : memref<100000x128xf32, #tpu.memory_space<hbm>> -> memref<64x128xf32, #tpu.memory_space<hbm>>
    tpu.wait_dma2 semaphore(%arg30 : memref<!tpu.dma_semaphore, #tpu.memory_space<semaphore_mem>>) src(%arg18 : memref<64x128xf32, #tpu.memory_space<vmem>>) dst(%dma_wait3A_61 : memref<64x128xf32, #tpu.memory_space<hbm>>)
    %dma_wait3A_62 = arith.constant 0 : i32
    %dma_wait3A_63 = arith.constant 0 : i32
    %dma_wait3A_64 = tpu.memref_slice %arg5[%dma_wait3A_62, %dma_wait3A_63] : memref<100000x128xf32, #tpu.memory_space<hbm>> -> memref<64x128xf32, #tpu.memory_space<hbm>>
    %dma_wait3A_65 = arith.constant 0 : i32
    %dma_wait3A_66 = arith.constant 0 : i32
    %dma_wait3A_67 = tpu.memref_slice %arg5[%dma_wait3A_65, %dma_wait3A_66] : memref<100000x128xf32, #tpu.memory_space<hbm>> -> memref<64x128xf32, #tpu.memory_space<hbm>>
    tpu.wait_dma2 semaphore(%arg31 : memref<!tpu.dma_semaphore, #tpu.memory_space<semaphore_mem>>) src(%arg19 : memref<64x128xf32, #tpu.memory_space<vmem>>) dst(%dma_wait3A_67 : memref<64x128xf32, #tpu.memory_space<hbm>>)
    %dma_wait3A_68 = arith.constant 0 : i32
    %dma_wait3A_69 = arith.constant 0 : i32
    %dma_wait3A_70 = tpu.memref_slice %arg5[%dma_wait3A_68, %dma_wait3A_69] : memref<100000x128xf32, #tpu.memory_space<hbm>> -> memref<64x128xf32, #tpu.memory_space<hbm>>
    %dma_wait3A_71 = arith.constant 0 : i32
    %dma_wait3A_72 = arith.constant 0 : i32
    %dma_wait3A_73 = tpu.memref_slice %arg5[%dma_wait3A_71, %dma_wait3A_72] : memref<100000x128xf32, #tpu.memory_space<hbm>> -> memref<64x128xf32, #tpu.memory_space<hbm>>
    tpu.wait_dma2 semaphore(%arg32 : memref<!tpu.dma_semaphore, #tpu.memory_space<semaphore_mem>>) src(%arg20 : memref<64x128xf32, #tpu.memory_space<vmem>>) dst(%dma_wait3A_73 : memref<64x128xf32, #tpu.memory_space<hbm>>)
    %dma_wait3A_74 = arith.constant 0 : i32
    %dma_wait3A_75 = arith.constant 0 : i32
    %dma_wait3A_76 = tpu.memref_slice %arg5[%dma_wait3A_74, %dma_wait3A_75] : memref<100000x128xf32, #tpu.memory_space<hbm>> -> memref<64x128xf32, #tpu.memory_space<hbm>>
    %dma_wait3A_77 = arith.constant 0 : i32
    %dma_wait3A_78 = arith.constant 0 : i32
    %dma_wait3A_79 = tpu.memref_slice %arg5[%dma_wait3A_77, %dma_wait3A_78] : memref<100000x128xf32, #tpu.memory_space<hbm>> -> memref<64x128xf32, #tpu.memory_space<hbm>>
    tpu.wait_dma2 semaphore(%arg33 : memref<!tpu.dma_semaphore, #tpu.memory_space<semaphore_mem>>) src(%arg21 : memref<64x128xf32, #tpu.memory_space<vmem>>) dst(%dma_wait3A_79 : memref<64x128xf32, #tpu.memory_space<hbm>>)
    %dma_wait3A_80 = arith.constant 0 : i32
    %dma_wait3A_81 = arith.constant 0 : i32
    %dma_wait3A_82 = tpu.memref_slice %arg5[%dma_wait3A_80, %dma_wait3A_81] : memref<100000x128xf32, #tpu.memory_space<hbm>> -> memref<64x128xf32, #tpu.memory_space<hbm>>
    %dma_wait3A_83 = arith.constant 0 : i32
    %dma_wait3A_84 = arith.constant 0 : i32
    %dma_wait3A_85 = tpu.memref_slice %arg5[%dma_wait3A_83, %dma_wait3A_84] : memref<100000x128xf32, #tpu.memory_space<hbm>> -> memref<64x128xf32, #tpu.memory_space<hbm>>
    tpu.wait_dma2 semaphore(%arg34 : memref<!tpu.dma_semaphore, #tpu.memory_space<semaphore_mem>>) src(%arg22 : memref<64x128xf32, #tpu.memory_space<vmem>>) dst(%dma_wait3A_85 : memref<64x128xf32, #tpu.memory_space<hbm>>)
    return
  }
}

</mosaic_0001>

<sc_bundles>
// kernel: kernel.3.cloned.1.call-start
scs
__scs_entry_jumppad:
0x0: {  	(pc) =	sbr.rel $0x88, $3  }
0x1: {  	(tag) =	ssettag $0x0;
	lr =	simm.s32 $0x1  }
0x2: {  	[smem:$0x3F9E] =	sst lr;
	_ =	strace $0xD0000000  }
0x3: {  	_ = 	snop  }
0x4: {  	_ = 	snop  }
0x5: {  	_ = 	snop  }
0x6: {  	_ = 	snop  }
0x7: {  	_ = 	snop  }
__scs_overlays_trampoline_lowered:
0x8: {  	[smem:$0x3FAD] =	sst s0  }
0x9: {  	[smem:$0x3FAE] =	sst s1  }
0xa: {  	[smem:$0x3FAF] =	sst s2  }
0xb: {  	[smem:$0x3FB0] =	sst s3  }
0xc: {  	[smem:$0x3FB1] =	sst s4  }
0xd: {  	[smem:$0x3FB2] =	sst s5  }
0xe: {  	[smem:$0x3FB3] =	sst s6  }
0xf: {  	[smem:$0x3FB4] =	sst s7  }
0x10: {  	[smem:$0x3FB5] =	sst s8  }
0x11: {  	[smem:$0x3FB6] =	sst s9;
	s0 =	simm.s32 @!p0 $0x0  }
0x12: {  	s1 =	sld [smem:$0x3F9C];
	s0 =	simm.s32 @p0 $0x1  }
0x13: {  	[smem:$0x3FB7] =	sst s0;
	s0 =	simm.s32 @!p1 $0x0  }
0x14: {  	s2 =	sld [smem:$0x3F9B];
	s0 =	simm.s32 @p1 $0x1  }
0x15: {  	[smem:$0x3FB8] =	sst s0;
	s0 =	simm.s32 @!p2 $0x0  }
0x16: {  	s3 =	sld [smem:$0x3FDB];
	s0 =	simm.s32 @p2 $0x1  }
0x17: {  	s4 =	simm.s32 $0x1BF5;
	[smem:$0x3FBA] =	sst s0  }
0x18: {  	s0 =	sld [smem:$0x3F9D];
	_ =	swait.ge [sflag:s4], $0x0  }
0x19: {  	s7 =	sld [smem:$0x3F9E]  }
0x1a: {  	s8 =	sadd.s32 $0xFFFFE003, lr  }
0x1b: {  	s9 =	sadd.s32 $0xFFFFFEF7, lr;
	s5 =	simm.s32 $0xFFFFFFFF;
	p2 =	slt.u32 s8, $0xFFFFF086  }
0x1c: {  	p1 =	slt.u32 s9, $0xF7A;
	s5 =	simm.s32 @!p2 $0x0  }
0x1d: {  	s5 =	simm.s32 @p1 $0x1;
	p0 =	seq.s32 s7, s2  }
0x1e: {  	s7 =	smul.u32 @!p0 $0xF7A, s2;
	p2 =	seq.s32 @!p0 s5, $0x0  }
0x1f: {  	s9 =	smul.u32 $0xF7A, s1;
	s8 =	simm.s32 @!p0 $0x1BF5;
	p2 =	por !p2, p0  }
0x20: {  	[sflag:s8] =	ssyncset.s32 @!p0 $0xFFFFF086;
	s6 =	sadd.s32 @!p0 s3, s7;
	s7 =	simm.s32 @!p0 $0x108  }
0x21: {  	s3 =	sadd.s32 s3, s9;
	s6 =	sadd.s32 @!p0 $0x88, s6;
	s7 =	simm.s32 @p2 $0x1082  }
0x22: {  	[simem:s7], [sflag:s8] =	dma.local @!p0 [hbm:s6], $0xF7A  }
0x23: {  	s9 =	sor.u32 $0xD0000000, s2;
	s6 =	simm.s32 $0x108;
	_ =	swait.ge @!p0 [sflag:s8], $0x0  }
0x24: {  	s3 =	sadd.s32 $0x88, s3;
	s6 =	simm.s32 @!p1 $0x1082;
	[sflag:s4] =	ssyncset.s32 $0xFFFFF086  }
0x25: {  	[simem:s6], [sflag:s4] =	dma.local [hbm:s3], $0xF7A  }
0x26: {  	[smem:$0x3F9E] =	sst s1;
	(tag) =	ssettag s2;
	_ =	strace s9  }
0x27: {  	s1 =	sld [smem:$0x3FAE]  }
0x28: {  	s2 =	sld [smem:$0x3FAF]  }
0x29: {  	s4 =	sld [smem:$0x3FB1]  }
0x2a: {  	p0 =	seq.s32 s5, $0x0;
	s5 =	sld [smem:$0x3FB2]  }
0x2b: {  	s6 =	sld [smem:$0x3FB3]  }
0x2c: {  	s7 =	sld [smem:$0x3FB4]  }
0x2d: {  	s3 =	simm.s32 $0x108;
	s8 =	sld [smem:$0x3FB5]  }
0x2e: {  	s3 =	simm.s32 @!p0 $0x1082;
	s9 =	sld [smem:$0x3FB6]  }
0x2f: {  	lr =	sadd.s32 s0, s3;
	s0 =	sld [smem:$0x3FAD]  }
0x30: {  	s3 =	sld [smem:$0x3FB0]  }
0x31: {  	[smem:$0x3FB9] =	sst s10  }
0x32: {  	s10 =	sld [smem:$0x3FB7];
	_ =	sdelay $0x3  }
0x33: {  	p0 =	seq.s32 s10, $0x1;
	s10 =	sld [smem:$0x3FB9];
	_ =	sdelay $0x3  }
0x34: {  	[smem:$0x3FB9] =	sst s10  }
0x35: {  	s10 =	sld [smem:$0x3FB8];
	_ =	sdelay $0x3  }
0x36: {  	p1 =	seq.s32 s10, $0x1;
	s10 =	sld [smem:$0x3FB9];
	_ =	sdelay $0x3  }
0x37: {  	[smem:$0x3FB9] =	sst s10  }
0x38: {  	s10 =	sld [smem:$0x3FBA]  }
0x39: {  	_ = 	snop;
	(pc) =	sbr.ind lr, $3  }
0x3a: {  	_ = 	snop  }
0x3b: {  	_ = 	snop  }
0x3c: {  	p2 =	seq.s32 s10, $0x1;
	s10 =	sld [smem:$0x3FB9]  }
0x3d: {  	_ =	shalt  }
0x3e: {  	_ =	shalt  }
0x3f: {  	_ =	shalt  }
0x40: {  	_ =	shalt  }
0x41: {  	_ =	shalt  }
0x42: {  	_ =	shalt  }
0x43: {  	_ =	shalt  }
0x44: {  	_ =	shalt  }
0x45: {  	_ =	shalt  }
0x46: {  	_ =	shalt  }
0x47: {  	_ =	shalt  }
0x48: {  	_ =	shalt  }
0x49: {  	_ =	shalt  }
0x4a: {  	_ =	shalt  }
0x4b: {  	_ =	shalt  }
0x4c: {  	_ =	shalt  }
0x4d: {  	_ =	shalt  }
0x4e: {  	_ =	shalt  }
0x4f: {  	_ =	shalt  }
0x50: {  	_ =	shalt  }
0x51: {  	_ =	shalt  }
0x52: {  	_ =	shalt  }
0x53: {  	_ =	shalt  }
0x54: {  	_ =	shalt  }
0x55: {  	_ =	shalt  }
0x56: {  	_ =	shalt  }
0x57: {  	_ =	shalt  }
0x58: {  	_ =	shalt  }
0x59: {  	_ =	shalt  }
0x5a: {  	_ =	shalt  }
0x5b: {  	_ =	shalt  }
0x5c: {  	_ =	shalt  }
0x5d: {  	_ =	shalt  }
0x5e: {  	_ =	shalt  }
0x5f: {  	_ =	shalt  }
0x60: {  	_ =	shalt  }
0x61: {  	_ =	shalt  }
0x62: {  	_ =	shalt  }
0x63: {  	_ =	shalt  }
0x64: {  	_ =	shalt  }
0x65: {  	_ =	shalt  }
0x66: {  	_ =	shalt  }
0x67: {  	_ =	shalt  }
0x68: {  	_ =	shalt  }
0x69: {  	_ =	shalt  }
0x6a: {  	_ =	shalt  }
0x6b: {  	_ =	shalt  }
0x6c: {  	_ =	shalt  }
0x6d: {  	_ =	shalt  }
0x6e: {  	_ =	shalt  }
0x6f: {  	_ =	shalt  }
0x70: {  	_ =	shalt  }
0x71: {  	_ =	shalt  }
0x72: {  	_ =	shalt  }
0x73: {  	_ =	shalt  }
0x74: {  	_ =	shalt  }
0x75: {  	_ =	shalt  }
0x76: {  	_ =	shalt  }
0x77: {  	_ =	shalt  }
0x78: {  	_ =	shalt  }
0x79: {  	_ =	shalt  }
0x7a: {  	_ =	shalt  }
0x7b: {  	_ =	shalt  }
0x7c: {  	_ =	shalt  }
0x7d: {  	_ =	shalt  }
0x7e: {  	_ =	shalt  }
0x7f: {  	_ =	shalt  }
0x80: {  	_ =	shalt  }
0x81: {  	_ =	shalt  }
0x82: {  	_ =	shalt  }
0x83: {  	_ =	shalt  }
0x84: {  	_ =	shalt  }
0x85: {  	_ =	shalt  }
0x86: {  	_ =	shalt  }
0x87: {  	_ =	shalt  }
.Lfunc_end0:
.L_simem_size_0:
called_computation_lowered:
.L_overlay_start_0:
0x88: {  	s2 =	sld [smem:$0x3FD9]  }
0x89: {  	s3 =	sld [smem:$0x3FFE];
	_ =	sdelay $0x1  }
0x8a: {  	s1 =	srdreg.scid  }
0x8b: {  	s0 =	sand.u32 $0x1, s1  }
0x8c: {  	s18 =	sshll.u32 s0, $0xA;
	s2 =	sadd.s32 s3, s2  }
0x8d: {  	s2 =	sadd.s32 s2, s18  }
0x8e: {  	[smem:$0x3FC5] =	sst s2  }
0x8f: {  	_ = 	snop  }
0x90: {  	s2 =	sld [smem:$0x3FC9]  }
0x91: {  	s19 =	sld [smem:$0x3FC8]  }
0x92: {  	s4 =	sld [smem:$0x3FC7]  }
0x93: {  	s5 =	sld [smem:$0x3FD0];
	(tm) =	ssettm $0x1  }
0x94: {  	s6 =	sld [smem:$0x3FFB];
	_ =	sdelay $0x3  }
0x95: {  	_ =	strace s6  }
0x96: {  	s6 =	sld [smem:$0x3FFC];
	_ =	sdelay $0x3  }
0x97: {  	_ =	strace s6  }
0x98: {  	s6 =	sld [smem:$0x3FFD];
	_ =	sdelay $0x3  }
0x99: {  	_ =	strace s6  }
0x9a: {  	_ =	strace $0x8FFFFFFF  }
0x9b: {  	s20 =	sld [smem:$0x3FDB];
	_ =	sdelay $0x1  }
0x9c: {  	s7 =	simm.s32 $_scs_section_size  }
0x9d: {  	s8 =	simm.s32 $_size__tile_overlayer_lowered;
	s9 =	simm.s32 $_tile_overlayer_lowered  }
0x9e: {  	s23 =	simm.s32 $0x1BFF;
	s22 =	sshll.u32 s9, $0x1;
	s6 =	sadd.s32 s7, s20  }
0x9f: {  	s10 =	simm.s32 $0x0;
	s21 =	sshll.u32 s8, $0x1;
	s8 =	sadd.s32 s22, s6  }
0xa0: {  	[timem:s10], [sflag:s23] =	dma.local [hbm:s8], s21  }
0xa1: {  	_ =	swait.ge [sflag:s23], s21  }
0xa2: {  	s7 =	ssub.s32 $0x0, s21;
	[sflag:s23] =	ssyncset.done $0x0  }
0xa3: {  	[sflag:s23] =	ssyncadd.s32 s7;
	_ =	sdelay $0x1  }
0xa4: {  	s24 =	simm.s32 $0x1B8B  }
0xa5: {  	_ =	swait.ge [sflag:s24], $0x1  }
0xa6: {  	[sflag:s24] =	ssyncset.done $0x0  }
0xa7: {  	s25 =	simm.s32 $0x1B8E;
	[sflag:s24] =	ssyncadd.s32 $0xFFFFFFFF  }
0xa8: {  	s26 =	simm.s32 $execute0_lowered;
	[smem:$0x3FD2] =	sst s25  }
0xa9: {  	s7 =	sshll.u32 s26, $0x1;
	_ =	strace $0x80000046;
	[dreg:$0x1] =	wrdreg $0xFFFFFFFF  }
0xaa: {  	s28 =	simm.s32 $_size_execute0_lowered;
	s6 =	sadd.s32 s6, s7;
	[dreg:$0x0] =	wrdreg $0x0  }
0xab: {  	s7 =	sshll.u32 s28, $0x1;
	[dreg:$0x2] =	wrdreg s6  }
0xac: {  	[dreg:$0x3] =	wrdreg s7  }
0xad: {  	[dreg:$0x4] =	wrdreg $0xC0  }
0xae: {  	_ =	task [dreg:s10], $0x5FFFF  }
0xaf: {  	[dreg:$0x1] =	wrdreg $0xFFFFFFFF  }
0xb0: {  	[dreg:$0x0] =	wrdreg $0x60  }
0xb1: {  	[dreg:$0x2] =	wrdreg s4  }
0xb2: {  	[dreg:$0x3] =	wrdreg s2  }
0xb3: {  	[dreg:$0x4] =	wrdreg s19  }
0xb4: {  	[dreg:$0x5] =	wrdreg s5  }
0xb5: {  	[dreg:$0x6] =	wrdreg $0x0  }
0xb6: {  	[dreg:$0x7] =	wrdreg $0x9  }
0xb7: {  	_ =	task.clear_ibuf [dreg:s10], $0x8FFFF;
	_ =	strace $0x90000046  }
0xb8: {  	s29 =	simm.s32 $0x9;
	_ =	strace $0x80000048  }
0xb9: {  	_ =	swait.ge [sflag:s29], $0x1  }
0xba: {  	[sflag:s29] =	ssyncadd.s32 $0xFFFFFFFF  }
0xbb: {  	_ =	strace $0x90000048  }
0xbc: {  	_ =	sfence  }
0xbd: {  	s30 =	sld [smem:$0x0];
	_ =	sdelay $0x2  }
0xbe: {  	s31 =	sshll.u32 s1, $0xD;
	s1 =	sshrl.u32 s1, $0x2  }
0xbf: {  	s3 =	sand.u32 $0x4000, s31;
	s1 =	sadd.s32 s1, s30  }
0xc0: {  	s0 =	sor.u32 s3, s0;
	s1 =	sshll.u32 s1, $0x11  }
0xc1: {  	s0 =	sor.u32 s1, s0  }
0xc2: {  	s0 =	sadd.s32 $0x8F2B, s0  }
0xc3: {  	[sflag:s0] =	ssyncadd.remote.s32 $0x1  }
0xc4: {  	_ =	sfence.sel $0xFFFF  }
0xc5: {  	[dreg:$0x0] =	wrdreg $0xFFFFFFFF;
	(pc) =	sbr.abs _section_cstart, $3  }
0xc6: {  	[dreg:$0x1] =	wrdreg $0xFFFFFFFF  }
0xc7: {  	_ =	task.clear_ibuf [dreg:s10], $0x2FFFF;
	_ =	strace $0x9FFFFFFF  }
0xc8: {  	(tm) =	ssettm $0x7FFFFFFF  }
0xc9: {  	_ =	shalt  }
tec
execute0_lowered:
.L_overlay_start_1:
0x0: {  	(tag) =	ssettag $0x1  }
0x1: {  	s0 =	rddreg [dreg:$0x1];
	s1 =	srdreg.scid  }
0x2: {  	s2 =	stileid.u32;
	s5 =	rddreg [dreg:$0x2]  }
0x3: {  	s10 =	rddreg [dreg:$0x3];
	s15 =	simm.s32 $0x40;
	s18 =	simm.s32 $0x2F60  }
0x4: {  	s20 =	simm.s32 $0xD;
	s21 =	simm.s32 $0xE;
	s28 =	simm.s32 $0x12  }
0x5: {  	s29 =	simm.s32 $0x12F60;
	s30 =	simm.s32 $0x13;
	s31 =	simm.s32 $0x14F60  }
0x6: {  	s12 =	simm.s32 $0x15;
	s19 =	simm.s32 $0x17;
	s1 =	sand.u32 $0x1, s1  }
0x7: {  	s3 =	sshll.u32 s2, $0x1;
	s7 =	smul.u32 $0x1900, s2;
	p0 =	sne.s32 s2, $0x0  }
0x8: {  	s4 =	sor.u32 s1, s3;
	s3 =	rddreg [dreg:$0x4];
	s8 =	smul.u32 $0xC80, s1  }
0x9: {  	s1 =	ssub.s32 $0x2, s1;
	s6 =	smul.u32 $0xC80, s4;
	s4 =	simm.s32 $0x0  }
0xa: {  	s2 =	simm.s32 $0x18;
	s24 =	sshrl.u32 s1, $0x1;
	[smem:$0x7FF] =	sst s4  }
0xb: {  	s7 =	sadd.s32 s8, s7;
	s1 =	ssub.s32 s1, s24;
	s24 =	simm.s32 $0xAF60  }
0xc: {  	_ =	strace $0x80000047;
	s11 =	smin.u32 s6, $0x17A20;
	s25 =	smin.u32 s7, $0x17A20  }
0xd: {  	s1 =	smax.u32 s1, $0x1;
	s6 =	simm.s32 $0x16;
	s7 =	simm.s32 $0x1  }
0xe: {  	s9 =	sshrl.u32 s11, $0x3;
	[dreg:$0x6] =	wrdreg s11;
	s26 =	sshll.u32 s11, $0x4  }
0xf: {  	[dreg:$0x9] =	wrdreg s1;
	s1 =	simm.s32 $0x14;
	s0 =	sadd.s32 s0, s9  }
.Ltmp0:
0x10: {  	[dreg:$0x7] =	wrdreg s0;
	s0 =	sshll.u32 s25, $0x4;
	(pc) =	sbr.rel .LBB2_1-.Ltmp0, $4  }
0x11: {  	s5 =	sadd.s32 s5, s9;
	s8 =	sadd.s32 s10, s26;
	s0 =	sadd.s32 s0, s10  }
0x12: {  	s26 =	simm.s32 $0x10F60;
	[dreg:$0x8] =	wrdreg s5;
	s0 =	sadd.s32 $0xFFFFF800, s0  }
0x13: {  	s9 =	simm.s32 $0x2;
	[dreg:$0xa] =	wrdreg s0;
	s0 =	sshrl.u32 @!p0 s3, $0x3  }
0x14: {  	s25 =	simm.s32 $0x11;
	s10 =	simm.s32 $0x0;
	[dreg:$0xb] =	wrdreg s0  }
.LBB2_22:
0x15: {  	_ =	swait.ge [sflag:s7], $0x2000  }
0x16: {  	[sflag:s7] =	ssyncset.done $0x0  }
0x17: {  	[sflag:s7] =	ssyncadd.s32 $0xFFFFE000  }
0x18: {  	_ =	swait.ge [sflag:s9], $0x2000  }
0x19: {  	[sflag:s9] =	ssyncset.done $0x0  }
0x1a: {  	s0 =	simm.s32 $0x3;
	[sflag:s9] =	ssyncadd.s32 $0xFFFFE000  }
0x1b: {  	_ =	swait.ge [sflag:s0], $0x2000  }
0x1c: {  	[sflag:s0] =	ssyncset.done $0x0  }
0x1d: {  	s5 =	simm.s32 $0x4;
	[sflag:s0] =	ssyncadd.s32 $0xFFFFE000  }
0x1e: {  	_ =	swait.ge [sflag:s5], $0x2000  }
0x1f: {  	[sflag:s5] =	ssyncset.done $0x0  }
0x20: {  	s10 =	simm.s32 $0x5;
	[sflag:s5] =	ssyncadd.s32 $0xFFFFE000  }
0x21: {  	_ =	swait.ge [sflag:s10], $0x2000  }
0x22: {  	[sflag:s10] =	ssyncset.done $0x0  }
0x23: {  	s11 =	simm.s32 $0x6;
	[sflag:s10] =	ssyncadd.s32 $0xFFFFE000  }
0x24: {  	_ =	swait.ge [sflag:s11], $0x2000  }
0x25: {  	[sflag:s11] =	ssyncset.done $0x0  }
0x26: {  	s13 =	simm.s32 $0x7;
	[sflag:s11] =	ssyncadd.s32 $0xFFFFE000  }
0x27: {  	_ =	swait.ge [sflag:s13], $0x2000  }
0x28: {  	[sflag:s13] =	ssyncset.done $0x0  }
0x29: {  	s14 =	simm.s32 $0x8;
	[sflag:s13] =	ssyncadd.s32 $0xFFFFE000  }
0x2a: {  	_ =	swait.ge [sflag:s14], $0x2000  }
0x2b: {  	[sflag:s14] =	ssyncset.done $0x0  }
0x2c: {  	s16 =	simm.s32 $0x9;
	[sflag:s14] =	ssyncadd.s32 $0xFFFFE000  }
0x2d: {  	_ =	swait.ge [sflag:s16], $0x2000  }
0x2e: {  	[sflag:s16] =	ssyncset.done $0x0  }
0x2f: {  	s17 =	simm.s32 $0xA;
	[sflag:s16] =	ssyncadd.s32 $0xFFFFE000  }
0x30: {  	_ =	swait.ge [sflag:s17], $0x2000  }
0x31: {  	[sflag:s17] =	ssyncset.done $0x0  }
0x32: {  	s22 =	simm.s32 $0xB;
	[sflag:s17] =	ssyncadd.s32 $0xFFFFE000  }
0x33: {  	_ =	swait.ge [sflag:s22], $0x2000  }
0x34: {  	[sflag:s22] =	ssyncset.done $0x0  }
0x35: {  	s5 =	simm.s32 $0xC;
	[sflag:s22] =	ssyncadd.s32 $0xFFFFE000  }
0x36: {  	_ =	swait.ge [sflag:s5], $0x2000  }
0x37: {  	s10 =	rddreg [dreg:$0xc]  }
0x38: {  	s23 =	rddreg [dreg:$0x9];
	s10 =	sadd.s32 $0x1, s10  }
0x39: {  	p1 =	sne.s32 s10, s23  }
.Ltmp1:
0x3a: {  	_ = 	snop;
	(pc) =	sbr.rel @!p1 .LBB2_23-.Ltmp1, $3  }
0x3b: {  	_ =	sdelay $0x1  }
0x3c: {  	[sflag:s5] =	ssyncset.done $0x0  }
0x3d: {  	[sflag:s5] =	ssyncadd.s32 $0xFFFFE000  }
.LBB2_1:
0x3e: {  	[dreg:$0xc] =	wrdreg s10  }
0x3f: {  	s5 =	rddreg [dreg:$0x0]  }
0x40: {  	s0 =	simm.s32 @!p0 $0x1C19;
	s10 =	rddreg [dreg:$0xb]  }
0x41: {  	[spmem:s10], [sflag:s0] =	dma.local @!p0 [hbm:s5], $0x12C0  }
0x42: {  	s0 =	simm.s32 @!p0 $0x19  }
0x43: {  	_ =	swait.ge @!p0 [sflag:s0], $0x12C0  }
0x44: {  	[sflag:s0] =	ssyncset.done @!p0 $0x0  }
0x45: {  	v0 =	vimm.f32 @!p0 $0.0e+00;
	[sflag:s0] =	ssyncadd.s32 @!p0 $0xFFFFED40  }
0x46: {  	[tilespmem:$0x2EE0] =	vst @!p0 v0  }
0x47: {  	[tilespmem:$0x2EF0] =	vst @!p0 v0  }
0x48: {  	[tilespmem:$0x2F00] =	vst @!p0 v0  }
0x49: {  	[tilespmem:$0x2F10] =	vst @!p0 v0  }
0x4a: {  	[tilespmem:$0x2F20] =	vst @!p0 v0  }
0x4b: {  	[tilespmem:$0x2F30] =	vst @!p0 v0  }
0x4c: {  	[tilespmem:$0x2F40] =	vst @!p0 v0  }
0x4d: {  	s5 =	simm.s32 @!p0 $0x2EE0;
	[tilespmem:$0x2F50] =	vst @!p0 v0  }
0x4e: {  	[spmem:s3] =	stream.linear.scatter @!p0 [tilespmem:s5], [sflag:$0x19], $0x80, $0x38;
	[tilespmem:$0x1AF60] =	vst v63  }
0x4f: {  	_ =	swait.ge @!p0 [sflag:s0], $0x80  }
0x50: {  	s16 =	simm.s32 $0x960;
	[sflag:s0] =	ssyncset.done @!p0 $0x0  }
0x51: {  	s17 =	simm.s32 $0x19;
	s14 =	rddreg [dreg:$0x7];
	[sflag:s0] =	ssyncadd.s32 @!p0 $0xFFFFFF80  }
0x52: {  	[tilespmem:s16], [sflag:$0x19] =	stream.linear.gather [hbm4b:s14+s4], $0xC80, $0x38;
	[tilespmem:$0x1AF60] =	vst v63  }
0x53: {  	_ =	swait.ge [sflag:s17], $0xC80  }
0x54: {  	[sflag:s17] =	ssyncset.done $0x0  }
0x55: {  	s23 =	simm.s32 $0x15E0;
	s22 =	rddreg [dreg:$0x8];
	[sflag:s17] =	ssyncadd.s32 $0xFFFFF380  }
0x56: {  	[tilespmem:s23], [sflag:$0x19] =	stream.linear.gather [hbm4b:s22+s4], $0xC80, $0x38;
	[tilespmem:$0x1AF60] =	vst v63  }
0x57: {  	_ =	swait.ge [sflag:s17], $0xC80  }
0x58: {  	[sflag:s17] =	ssyncset.done $0x0  }
0x59: {  	s0 =	simm.s32 $0x0;
	[sflag:s17] =	ssyncadd.s32 $0xFFFFF380  }
0x5a: {  	v0 =	vld [tilespmem:s0+$0x15E0]  }
0x5b: {  	s10 =	simm.s32 $0x40;
	v1 =	vld [tilespmem:s0+$0x960]  }
.LBB2_2:
0x5c: {  	_ = 	snop  }
0x5d: {  	p1 =	sne.s32 s10, $0x31C0  }
.Ltmp2:
0x5e: {  	_ = 	snop;
	(pc) =	sbr.rel @p1 .LBB2_2-.Ltmp2, $4  }
0x5f: {  	v2 =	vmul.u32 $0x64, v0  }
0x60: {  	s5 =	sshra.s32 s10, $0x2  }
0x61: {  	v0 =	vld [tilespmem:s5+$0x15E0];
	v2 =	vadd.s32 v1, v2  }
0x62: {  	s10 =	sadd.s32 $0x40, s10;
	v1 =	vld [tilespmem:s5+$0x960];
	[tilespmem:s0+$0x2260] =	vst v2;
	s0 =	smov.u32 s5  }
0x63: {  	_ =	sdelay $0x2  }
0x64: {  	v0 =	vmul.u32 $0x64, v0  }
.Ltmp3:
0x65: {  	_ = 	snop;
	(pc) =	sbr.rel .LBB2_4-.Ltmp3, $4  }
0x66: {  	v0 =	vadd.s32 v1, v0  }
0x67: {  	[tilespmem:s0+$0x2260] =	vst v0  }
0x68: {  	s5 =	simm.s32 $0x0;
	s14 =	simm.s32 $0x1;
	[bflag:$0x0] =	sbarrier.arrive $0xFFFF  }
0x69: {  	s17 =	simm.s32 $0x0;
	s22 =	simm.s32 $0x0;
	s13 =	rddreg [dreg:$0xa]  }
.LBB2_21:
0x6a: {  	s10 =	sshra.s32 s17, $0x2  }
0x6b: {  	s23 =	simm.s32 $0xEF60;
	s11 =	sadd.s32 $0x23E0, s10  }
0x6c: {  	[tilespmem:s23], [sflag:$0x13] =	stream.indirect.gather [spmem:s3], $0x80, s11, s15, $0xb8;
	[tilespmem:$0x1AF60] =	vst v63  }
0x6d: {  	_ =	swait.ge [sflag:s25], $0x2000  }
0x6e: {  	[sflag:s25] =	ssyncset.done $0x0  }
0x6f: {  	s16 =	sadd.s32 $0x1800, s13;
	s11 =	simm.s32 @!p1 $0x8;
	[sflag:s25] =	ssyncadd.s32 $0xFFFFE000  }
0x70: {  	[hbm4b:s16+s4] =	stream.linear.scatter [tilespmem:s24], [sflag:$0x5], $0x2000, $0x38;
	[tilespmem:$0x1AF60] =	vst v63  }
0x71: {  	_ =	swait.ge @!p1 [sflag:s11], $0x2000  }
0x72: {  	[sflag:s11] =	ssyncset.done @!p1 $0x0  }
0x73: {  	s16 =	sadd.s32 $0x2420, s10;
	[sflag:s11] =	ssyncadd.s32 @!p1 $0xFFFFE000  }
0x74: {  	[tilespmem:s26], [sflag:$0x14] =	stream.indirect.gather [spmem:s3], $0x80, s16, s15, $0xb8;
	[tilespmem:$0x1AF60] =	vst v63  }
0x75: {  	_ =	swait.ge [sflag:s28], $0x2000  }
0x76: {  	[sflag:s28] =	ssyncset.done $0x0  }
0x77: {  	s11 =	sadd.s32 $0x1C00, s13;
	s16 =	simm.s32 $0xCF60;
	[sflag:s28] =	ssyncadd.s32 $0xFFFFE000  }
0x78: {  	[hbm4b:s11+s4] =	stream.linear.scatter [tilespmem:s16], [sflag:$0x6], $0x2000, $0x38;
	[tilespmem:$0x1AF60] =	vst v63  }
0x79: {  	s11 =	simm.s32 @!p1 $0x9  }
0x7a: {  	_ =	swait.ge @!p1 [sflag:s11], $0x2000  }
0x7b: {  	[sflag:s11] =	ssyncset.done @!p1 $0x0  }
0x7c: {  	s16 =	sadd.s32 $0x2460, s10;
	[sflag:s11] =	ssyncadd.s32 @!p1 $0xFFFFE000  }
0x7d: {  	[tilespmem:s29], [sflag:$0x15] =	stream.indirect.gather [spmem:s3], $0x80, s16, s15, $0xb8;
	[tilespmem:$0x1AF60] =	vst v63  }
0x7e: {  	_ =	swait.ge [sflag:s30], $0x2000  }
0x7f: {  	[sflag:s30] =	ssyncset.done $0x0  }
0x80: {  	s11 =	simm.s32 @!p1 $0xA;
	s16 =	sadd.s32 $0x2000, s13;
	[sflag:s30] =	ssyncadd.s32 $0xFFFFE000  }
0x81: {  	[hbm4b:s16+s4] =	stream.linear.scatter [tilespmem:s23], [sflag:$0x7], $0x2000, $0x38;
	[tilespmem:$0x1AF60] =	vst v63  }
0x82: {  	_ =	swait.ge @!p1 [sflag:s11], $0x2000  }
0x83: {  	[sflag:s11] =	ssyncset.done @!p1 $0x0  }
0x84: {  	s10 =	sadd.s32 $0x24A0, s10;
	[sflag:s11] =	ssyncadd.s32 @!p1 $0xFFFFE000  }
0x85: {  	[tilespmem:s31], [sflag:$0x16] =	stream.indirect.gather [spmem:s3], $0x80, s10, s15, $0xb8;
	[tilespmem:$0x1AF60] =	vst v63  }
0x86: {  	_ =	swait.ge [sflag:s1], $0x2000  }
0x87: {  	[sflag:s1] =	ssyncset.done $0x0  }
0x88: {  	s23 =	sadd.s32 $0x2400, s13;
	s10 =	simm.s32 @!p1 $0xB;
	[sflag:s1] =	ssyncadd.s32 $0xFFFFE000  }
0x89: {  	[hbm4b:s23+s4] =	stream.linear.scatter [tilespmem:s26], [sflag:$0x8], $0x2000, $0x38;
	[tilespmem:$0x1AF60] =	vst v63  }
0x8a: {  	_ =	swait.ge @!p1 [sflag:s10], $0x2000  }
0x8b: {  	[sflag:s10] =	ssyncset.done @!p1 $0x0  }
0x8c: {  	s16 =	simm.s32 $0x16F60;
	s11 =	sadd.s32 $0x280, s0;
	[sflag:s10] =	ssyncadd.s32 @!p1 $0xFFFFE000  }
0x8d: {  	[tilespmem:s16], [sflag:$0x17] =	stream.indirect.gather [spmem:s3], $0x80, s11, s15, $0xb8;
	[tilespmem:$0x1AF60] =	vst v63  }
0x8e: {  	_ =	swait.ge [sflag:s12], $0x2000  }
0x8f: {  	[sflag:s12] =	ssyncset.done $0x0  }
0x90: {  	s23 =	sadd.s32 $0x2800, s13;
	s10 =	simm.s32 @!p1 $0xC;
	[sflag:s12] =	ssyncadd.s32 $0xFFFFE000  }
0x91: {  	[hbm4b:s23+s4] =	stream.linear.scatter [tilespmem:s29], [sflag:$0x9], $0x2000, $0x38;
	[tilespmem:$0x1AF60] =	vst v63  }
0x92: {  	_ =	swait.ge @!p1 [sflag:s10], $0x2000  }
0x93: {  	[sflag:s10] =	ssyncset.done @!p1 $0x0  }
0x94: {  	s11 =	sadd.s32 $0x2C0, s0;
	s16 =	simm.s32 $0x18F60;
	[sflag:s10] =	ssyncadd.s32 @!p1 $0xFFFFE000  }
0x95: {  	[tilespmem:s16], [sflag:$0x18] =	stream.indirect.gather [spmem:s3], $0x80, s11, s15, $0xb8;
	[tilespmem:$0x1AF60] =	vst v63  }
0x96: {  	s22 =	sadd.s32 $0x1, s22;
	s17 =	sadd.s32 $0xC00, s17;
	_ =	swait.ge [sflag:s6], $0x2000  }
0x97: {  	s5 =	sadd.s32 $0x300, s5;
	s14 =	sadd.s32 $0xC, s14;
	[sflag:s6] =	ssyncset.done $0x0  }
0x98: {  	s23 =	sadd.s32 $0x2C00, s13;
	s13 =	sadd.s32 $0x3000, s13;
	[sflag:s6] =	ssyncadd.s32 $0xFFFFE000  }
0x99: {  	[hbm4b:s23+s4] =	stream.linear.scatter [tilespmem:s31], [sflag:$0xA], $0x2000, $0x38;
	[tilespmem:$0x1AF60] =	vst v63  }
.LBB2_4:
0x9a: {  	p1 =	seq.s32 s17, $0x0  }
.Ltmp4:
0x9b: {  	_ = 	snop;
	(pc) =	sbr.rel @p1 .LBB2_7-.Ltmp4, $1  }
0x9c: {  	_ =	sdelay $0x3  }
0x9d: {  	_ =	swait.ge [sflag:s7], $0x2000  }
0x9e: {  	s10 =	sshra.s32 s17, $0x2;
	[sflag:s7] =	ssyncset.done $0x0  }
0x9f: {  	s0 =	sadd.s32 $0x2260, s10;
	[sflag:s7] =	ssyncadd.s32 $0xFFFFE000  }
0xa0: {  	[tilespmem:s18], [sflag:$0xD] =	stream.indirect.gather [spmem:s3], $0x80, s0, s15, $0xb8;
	[tilespmem:$0x1AF60] =	vst v63  }
0xa1: {  	_ =	swait.ge [sflag:s19], $0x2000  }
0xa2: {  	[sflag:s19] =	ssyncset.done $0x0  }
0xa3: {  	s11 =	simm.s32 $0x16F60;
	[sflag:s19] =	ssyncadd.s32 $0xFFFFE000  }
0xa4: {  	[hbm4b:s13+s4] =	stream.linear.scatter [tilespmem:s11], [sflag:$0xB], $0x2000, $0x38;
	[tilespmem:$0x1AF60] =	vst v63  }
0xa5: {  	_ =	swait.ge [sflag:s9], $0x2000  }
0xa6: {  	[sflag:s9] =	ssyncset.done $0x0  }
0xa7: {  	s23 =	simm.s32 $0x4F60;
	s10 =	sadd.s32 $0x22A0, s10;
	[sflag:s9] =	ssyncadd.s32 $0xFFFFE000  }
0xa8: {  	[tilespmem:s23], [sflag:$0xE] =	stream.indirect.gather [spmem:s3], $0x80, s10, s15, $0xb8;
	[tilespmem:$0x1AF60] =	vst v63  }
0xa9: {  	_ =	swait.ge [sflag:s2], $0x2000  }
0xaa: {  	[sflag:s2] =	ssyncset.done $0x0  }
0xab: {  	s16 =	sadd.s32 $0x400, s13;
	s23 =	simm.s32 $0x18F60;
	[sflag:s2] =	ssyncadd.s32 $0xFFFFE000  }
0xac: {  	[hbm4b:s16+s4] =	stream.linear.scatter [tilespmem:s23], [sflag:$0xC], $0x2000, $0x38;
	[tilespmem:$0x1AF60] =	vst v63  }
0xad: {  	s23 =	sadd.s32 $0x1, s14  }
0xae: {  	p3 =	slt.u32 s23, $0x32  }
.Ltmp5:
0xaf: {  	_ = 	snop;
	(pc) =	sbr.rel @!p3 .LBB2_6-.Ltmp5, $2  }
0xb0: {  	_ =	sdelay $0x2  }
0xb1: {  	p2 =	por $0x0, $0x0  }
.Ltmp6:
0xb2: {  	(pc) =	sbr.rel .LBB2_9-.Ltmp6, $4  }
0xb3: {  	s10 =	simm.s32 $0x3  }
0xb4: {  	_ =	swait.ge [sflag:s10], $0x2000  }
0xb5: {  	[sflag:s10] =	ssyncset.done $0x0  }
0xb6: {  	s11 =	smov.u32 s5;
	[sflag:s10] =	ssyncadd.s32 $0xFFFFE000;
	s10 =	smov.u32 s14  }
.LBB2_7:
0xb7: {  	s0 =	simm.s32 $0x2260  }
0xb8: {  	[tilespmem:s18], [sflag:$0xD] =	stream.indirect.gather [spmem:s3], $0x80, s0, s15, $0xb8;
	[tilespmem:$0x1AF60] =	vst v63  }
0xb9: {  	s10 =	simm.s32 $0x22A0;
	s11 =	simm.s32 $0x4F60  }
0xba: {  	[tilespmem:s11], [sflag:$0xE] =	stream.indirect.gather [spmem:s3], $0x80, s10, s15, $0xb8;
	[tilespmem:$0x1AF60] =	vst v63  }
0xbb: {  	s23 =	simm.s32 $0x2;
	s10 =	simm.s32 $0x1;
	s11 =	simm.s32 $0x0  }
.LBB2_9:
.Ltmp7:
0xbc: {  	s16 =	sshll.u32 s23, $0x6;
	(pc) =	sbr.rel .LBB2_10-.Ltmp7, $4  }
0xbd: {  	s16 =	sand.u32 $0x3FFFFFC0, s16  }
0xbe: {  	s24 =	simm.s32 $0x6F60;
	s16 =	sadd.s32 $0x2260, s16  }
0xbf: {  	[tilespmem:s24], [sflag:$0xF] =	stream.indirect.gather [spmem:s3], $0x80, s16, s15, $0xb8;
	[tilespmem:$0x1AF60] =	vst v63  }
0xc0: {  	p2 =	por $0x1, $0x1;
	s24 =	simm.s32 $0xAF60  }
.LBB2_6:
0xc1: {  	s11 =	smov.u32 s5;
	s10 =	smov.u32 s14  }
.LBB2_10:
0xc2: {  	_ =	swait.ge [sflag:s20], $0x2000  }
0xc3: {  	s16 =	rddreg [dreg:$0x6];
	[sflag:s20] =	ssyncset.done $0x0  }
0xc4: {  	s11 =	sadd.s32 s16, s11;
	[sflag:s20] =	ssyncadd.s32 $0xFFFFE000  }
0xc5: {  	s11 =	sshll.u32 s11, $0x4;
	s16 =	rddreg [dreg:$0x3]  }
0xc6: {  	s11 =	sadd.s32 s16, s11;
	s16 =	sadd.s32 $0x2, s14  }
0xc7: {  	[hbm4b:s11+s4] =	stream.linear.scatter [tilespmem:s18], [sflag:$0x1], $0x2000, $0x38;
	[tilespmem:$0x1AF60] =	vst v63  }
0xc8: {  	p3 =	sgt.u32 s16, $0x31  }
0xc9: {  	p4 =	seq.s32 @!p3 s17, $0x0  }
0xca: {  	p4 =	por p4, p3  }
0xcb: {  	s11 =	simm.s32 @!p4 $0x4  }
0xcc: {  	_ =	swait.ge @!p4 [sflag:s11], $0x2000  }
0xcd: {  	[sflag:s11] =	ssyncset.done @!p4 $0x0  }
0xce: {  	[sflag:s11] =	ssyncadd.s32 @!p4 $0xFFFFE000;
	s11 =	sshra.s32 @!p3 s17, $0x2  }
0xcf: {  	s16 =	simm.s32 @!p3 $0x40;
	s18 =	simm.s32 @!p3 $0x8F60;
	s11 =	sadd.s32 @!p3 $0x2320, s11  }
0xd0: {  	[tilespmem:s18], [sflag:$0x10] =	stream.indirect.gather @!p3 [spmem:s3], $0x80, s11, s16, $0xb8;
	[tilespmem:$0x1AF60] =	vst v63  }
0xd1: {  	p3 =	seq.s32 s22, $0x0  }
.Ltmp8:
0xd2: {  	_ = 	snop;
	(pc) =	sbr.rel @p3 .LBB2_13-.Ltmp8, $4  }
0xd3: {  	_ =	swait.ge [sflag:s21], $0x2000  }
0xd4: {  	s10 =	sshll.u32 s10, $0xA;
	[sflag:s21] =	ssyncset.done $0x0  }
0xd5: {  	s10 =	sadd.s32 s10, s8;
	s18 =	simm.s32 $0x4F60;
	[sflag:s21] =	ssyncadd.s32 $0xFFFFE000  }
0xd6: {  	[hbm4b:s10+s4] =	stream.linear.scatter [tilespmem:s18], [sflag:$0x2], $0x2000, $0x38;
	[tilespmem:$0x1AF60] =	vst v63  }
0xd7: {  	p4 =	seq.s32 s22, $0x4  }
.Ltmp9:
0xd8: {  	_ = 	snop;
	(pc) =	sbr.rel @p4 .LBB2_14-.Ltmp9, $1  }
0xd9: {  	_ =	sdelay $0x3  }
0xda: {  	s10 =	simm.s32 $0x5  }
0xdb: {  	_ =	swait.ge [sflag:s10], $0x2000  }
0xdc: {  	[sflag:s10] =	ssyncset.done $0x0  }
0xdd: {  	[sflag:s10] =	ssyncadd.s32 $0xFFFFE000  }
.LBB2_13:
0xde: {  	s10 =	sshra.s32 s17, $0x2  }
0xdf: {  	s10 =	sadd.s32 $0x2360, s10  }
0xe0: {  	[tilespmem:s24], [sflag:$0x11] =	stream.indirect.gather [spmem:s3], $0x80, s10, s15, $0xb8;
	[tilespmem:$0x1AF60] =	vst v63  }
.LBB2_14:
0xe1: {  	s10 =	simm.s32 @p2 $0xF  }
.Ltmp10:
0xe2: {  	_ =	swait.ge @p2 [sflag:s10], $0x2000;
	(pc) =	sbr.rel @p3 .LBB2_17-.Ltmp10, $4  }
0xe3: {  	[sflag:s10] =	ssyncset.done @p2 $0x0  }
0xe4: {  	s11 =	simm.s32 @p2 $0x0;
	[sflag:s10] =	ssyncadd.s32 @p2 $0xFFFFE000;
	s10 =	sshll.u32 @p2 s23, $0xA  }
0xe5: {  	s16 =	simm.s32 @p2 $0x6F60;
	s18 =	simm.s32 $0x2F60;
	s10 =	sadd.s32 @p2 s10, s8  }
0xe6: {  	[hbm4b:s10+s11] =	stream.linear.scatter @p2 [tilespmem:s16], [sflag:$0x3], $0x2000, $0x38;
	[tilespmem:$0x1AF60] =	vst v63  }
0xe7: {  	p4 =	seq.s32 s22, $0x4  }
.Ltmp11:
0xe8: {  	_ = 	snop;
	(pc) =	sbr.rel @p4 .LBB2_18-.Ltmp11, $1  }
0xe9: {  	_ =	sdelay $0x3  }
0xea: {  	s10 =	simm.s32 $0x6  }
0xeb: {  	_ =	swait.ge [sflag:s10], $0x2000  }
0xec: {  	[sflag:s10] =	ssyncset.done $0x0  }
0xed: {  	[sflag:s10] =	ssyncadd.s32 $0xFFFFE000  }
.LBB2_17:
0xee: {  	s10 =	sshra.s32 s17, $0x2  }
0xef: {  	s11 =	simm.s32 $0xCF60;
	s10 =	sadd.s32 $0x23A0, s10  }
0xf0: {  	[tilespmem:s11], [sflag:$0x12] =	stream.indirect.gather [spmem:s3], $0x80, s10, s15, $0xb8;
	[tilespmem:$0x1AF60] =	vst v63  }
.LBB2_18:
.Ltmp12:
0xf1: {  	s10 =	simm.s32 @p2 $0x10;
	(pc) =	sbr.rel @p3 .LBB2_21-.Ltmp12, $4  }
0xf2: {  	_ =	swait.ge @p2 [sflag:s10], $0x2000  }
0xf3: {  	s11 =	simm.s32 @p2 $0x0;
	[sflag:s10] =	ssyncset.done @p2 $0x0  }
0xf4: {  	s16 =	simm.s32 @p2 $0x8F60;
	[sflag:s10] =	ssyncadd.s32 @p2 $0xFFFFE000;
	s10 =	sadd.s32 @p2 $0x1400, s13  }
0xf5: {  	[hbm4b:s10+s11] =	stream.linear.scatter @p2 [tilespmem:s16], [sflag:$0x4], $0x2000, $0x38;
	[tilespmem:$0x1AF60] =	vst v63  }
0xf6: {  	p2 =	seq.s32 s22, $0x4  }
.Ltmp13:
0xf7: {  	_ = 	snop;
	(pc) =	sbr.rel @p2 .LBB2_22-.Ltmp13, $1  }
0xf8: {  	_ =	sdelay $0x3  }
.Ltmp14:
0xf9: {  	(pc) =	sbr.rel .LBB2_21-.Ltmp14, $4  }
0xfa: {  	s10 =	simm.s32 $0x7  }
0xfb: {  	_ =	swait.ge [sflag:s10], $0x2000  }
0xfc: {  	[sflag:s10] =	ssyncset.done $0x0  }
0xfd: {  	[sflag:s10] =	ssyncadd.s32 $0xFFFFE000  }
.LBB2_23:
0xfe: {  	_ =	sfence.sel $0x180000  }
0xff: {  	[bflag:$0x0] =	sbarrier.arrive $0xFFFF  }
0x100: {  	_ =	strace $0x90000047  }
0x101: {  	[bflag:$0x2] =	sbarrier.arrive $0xFFFF  }
0x102: {  	s0 =	rddreg [dreg:$0x5]  }
0x103: {  	s0 =	sadd.s32 @!p0 $0x100000, s0  }
0x104: {  	[sflag:s0] =	ssyncadd.tile.s32 @!p0 $0x1;
	_ =	shalt  }
.Lfunc_end2:
_tile_overlayer_lowered:
.L_overlay_start_2:
0x105: {  	(tag) =	ssettag $0x2  }
0x106: {  	s0 =	rddreg [dreg:$0x0];
	s2 =	stileid.u32  }
0x107: {  	s1 =	rddreg [dreg:$0x1];
	p0 =	sne.s32 s2, $0x0  }
0x108: {  	s3 =	rddreg [dreg:$0x2];
	[bflag:$0x3] =	sbarrier.arrive $0xFFFF;
	s2 =	simm.s32 @!p0 $0x1C19  }
0x109: {  	[timem:s3], [sflag:s2] =	dma.local @!p0 [hbm:s0], s1  }
0x10a: {  	s0 =	simm.s32 @!p0 $0x19  }
0x10b: {  	_ =	swait.ge @!p0 [sflag:s0], s1  }
0x10c: {  	s1 =	ssub.s32 @!p0 $0x0, s1;
	[sflag:s0] =	ssyncset.done @!p0 $0x0  }
0x10d: {  	[sflag:s0] =	ssyncadd.s32 @!p0 s1  }
0x10e: {  	[bflag:$0x3] =	sbarrier.arrive $0xFFFF  }
0x10f: {  	_ =	shalt  }

</sc_bundles>
